<compile_context>
chip_gen: v7x
topology: tpu7x:2x2x1
jax: 0.10.2.dev20260603
libtpu: 0.0.44.dev20260713+nightly
codegen_flags: <defaults>
</compile_context>

<pallas_src>
import functools

import jax
import jax.numpy as jnp
from jax import lax
from jax.experimental import pallas as pl
from jax.experimental.pallas import tpu as pltpu
from jax.experimental.pallas import tpu_sc as plsc

N_ATOMS = 1_600_000
NUM_SEG = 100_000

NC = 2
NS = 16
NW = NC * NS
CHUNK = N_ATOMS // NW
PIECE = 5_000
NPIECES = CHUNK // PIECE
ACC = 102_400
STRIPE = ACC // NS


def _sc_body(ids_hbm, vals_hbm, zeros_hbm, part_hbm,
             ids_b0, ids_b1, vals_b0, vals_b1, acc,
             si0, si1, sv0, sv1, ss0, ss1):
    c = lax.axis_index("c")
    s = lax.axis_index("s")
    wid = c * NS + s
    base = wid * CHUNK
    stripe = s * STRIPE

    ids_b = (ids_b0, ids_b1)
    vals_b = (vals_b0, vals_b1)
    sin = (si0, si1)
    svn = (sv0, sv1)
    ssc = (ss0, ss1)

    pltpu.sync_copy(zeros_hbm, acc.at[pl.ds(stripe, STRIPE)])
    plsc.subcore_barrier()

    in_flight = [None, None]
    scat = [None, None]
    in_flight[0] = (
        pltpu.async_copy(ids_hbm.at[pl.ds(base, PIECE)], ids_b[0], sin[0]),
        pltpu.async_copy(vals_hbm.at[pl.ds(base, PIECE)], vals_b[0], svn[0]),
    )
    for j in range(NPIECES):
        cur = j & 1
        nxt = cur ^ 1
        for d in in_flight[cur]:
            d.wait()
        if j + 1 < NPIECES:
            if scat[nxt] is not None:
                scat[nxt].wait()
            off = base + (j + 1) * PIECE
            in_flight[nxt] = (
                pltpu.async_copy(ids_hbm.at[pl.ds(off, PIECE)], ids_b[nxt], sin[nxt]),
                pltpu.async_copy(vals_hbm.at[pl.ds(off, PIECE)], vals_b[nxt], svn[nxt]),
            )
        scat[cur] = pltpu.async_copy(vals_b[cur], acc.at[ids_b[cur]], ssc[cur],
                                     add=True)
    for d in scat:
        if d is not None:
            d.wait()
    plsc.subcore_barrier()
    pltpu.sync_copy(acc.at[pl.ds(stripe, STRIPE)],
                    part_hbm.at[c, pl.ds(stripe, STRIPE)])


_sc_segment_sum = functools.partial(
    pl.kernel,
    out_type=jax.ShapeDtypeStruct((NC, ACC), jnp.float32),
    mesh=plsc.VectorSubcoreMesh(core_axis_name="c", subcore_axis_name="s"),
    scratch_types=[
        pltpu.VMEM((PIECE,), jnp.int32),
        pltpu.VMEM((PIECE,), jnp.int32),
        pltpu.VMEM((PIECE,), jnp.float32),
        pltpu.VMEM((PIECE,), jnp.float32),
        pltpu.VMEM_SHARED((ACC,), jnp.float32),
        pltpu.SemaphoreType.DMA,
        pltpu.SemaphoreType.DMA,
        pltpu.SemaphoreType.DMA,
        pltpu.SemaphoreType.DMA,
        pltpu.SemaphoreType.DMA,
        pltpu.SemaphoreType.DMA,
    ],
)(_sc_body)


def _combine_body(a_ref, o_ref):
    o_ref[...] = a_ref[0] + a_ref[1]


def kernel(ind_1, output):
    ids = ind_1[:, 0]
    vals = output[:, 0]
    zeros = jnp.zeros((STRIPE,), jnp.float32)
    p0 = _sc_segment_sum(ids, vals, zeros)
    combined = pl.pallas_call(
        _combine_body,
        out_shape=jax.ShapeDtypeStruct((ACC // 128, 128), jnp.float32),
    )(p0.reshape(NC, ACC // 128, 128))
    return combined.reshape(ACC)[:NUM_SEG]

# --- scband reference (transcript-rebuilt; emitter-appended) ---
"""Pipeline reference for scband-annoutput-18777597018858 (READ-ONLY COPY).

The authoritative reference and input builder live on the scoring server;
editing this copy changes nothing except your own understanding.
"""

import jax, jax.numpy as jnp
import numpy as np

N_ATOMS = 1600000
NUM_SEGMENTS = 100000

def setup_inputs(seed: int = 0) -> dict:
    key = jax.random.key(seed)
    k1, k2 = jax.random.split(key)
    ind_1 = jnp.sort(jax.random.randint(k1, (N_ATOMS, 1), 0, NUM_SEGMENTS), axis=0)
    # ensure the max segment id is present so num_segments = max+1 is deterministic
    ind_1 = ind_1.at[-1, 0].set(NUM_SEGMENTS - 1)
    output = jax.random.normal(k2, (N_ATOMS, 1), dtype=jnp.float32)
    return {"ind_1": ind_1, "output": output}

def reference(ind_1, output):
    # ANNOutput with out_pool='sum':
    # unsorted_segment_sum(output, ind_1[:, 0], reduce_max(ind_1) + 1), then squeeze axis=1
    seg_ids = ind_1[:, 0]
    num_segments = NUM_SEGMENTS
    pooled = jax.ops.segment_sum(output, seg_ids, num_segments=num_segments)
    return jnp.squeeze(pooled, axis=1)

if __name__ == "__main__":
    import jax
    _d = setup_inputs()
    print(jax.jit(kernel)(*tuple(_d.values())))

</pallas_src>

<mosaic_0001>
#map = affine_map<(d0, d1) -> (0)>
#map1 = affine_map<(d0, d1) -> (0, 0)>
module attributes {stable_mosaic.version = 14 : i64} {
  func.func @_sc_body(%arg0: i32, %arg1: i32, %arg2: memref<1600000xi32, #tpu.memory_space<hbm>>, %arg3: memref<1600000xf32, #tpu.memory_space<hbm>>, %arg4: memref<6400xf32, #tpu.memory_space<hbm>>, %arg5: memref<2x102400xf32, #tpu.memory_space<hbm>>, %arg6: memref<5000xi32, #tpu.memory_space<vmem>>, %arg7: memref<5000xi32, #tpu.memory_space<vmem>>, %arg8: memref<5000xf32, #tpu.memory_space<vmem>>, %arg9: memref<5000xf32, #tpu.memory_space<vmem>>, %arg10: memref<102400xf32, #tpu.memory_space<vmem_shared>>, %arg11: memref<!tpu.dma_semaphore, #tpu.memory_space<semaphore_mem>>, %arg12: memref<!tpu.dma_semaphore, #tpu.memory_space<semaphore_mem>>, %arg13: memref<!tpu.dma_semaphore, #tpu.memory_space<semaphore_mem>>, %arg14: memref<!tpu.dma_semaphore, #tpu.memory_space<semaphore_mem>>, %arg15: memref<!tpu.dma_semaphore, #tpu.memory_space<semaphore_mem>>, %arg16: memref<!tpu.dma_semaphore, #tpu.memory_space<semaphore_mem>>) attributes {dimension_semantics = [#tpu.dimension_semantics<core_parallel>, #tpu.dimension_semantics<subcore_parallel>], iteration_bounds = array<i64: 2, 16>, scalar_prefetch = 0 : i64, scratch_operands = 11 : i64, tpu.core_type = #tpu.core_type<sc_vector_subcore>, window_params = [{transform_indices = #map}, {transform_indices = #map}, {transform_indices = #map}, {transform_indices = #map1}]} {
    %mul3A = arith.constant 16 : i32
    %mul3A_0 = arith.muli %arg0, %mul3A : i32
    %add3A = arith.addi %mul3A_0, %arg1 : i32
    %mul3A_1 = arith.constant 50000 : i32
    %mul3A_2 = arith.muli %add3A, %mul3A_1 : i32
    %mul3A_3 = arith.constant 6400 : i32
    %mul3A_4 = arith.muli %arg1, %mul3A_3 : i32
    "tpu.region"() ({
      %run_scoped3A = tpu.sem_alloc : memref<!tpu.dma_semaphore, #tpu.memory_space<semaphore_mem>>
      %dma_start3A_142 = tpu.memref_slice %arg10[%mul3A_4] : memref<102400xf32, #tpu.memory_space<vmem_shared>> -> memref<6400xf32, #tpu.memory_space<vmem_shared>>
      tpu.enqueue_dma source(%arg4 : memref<6400xf32, #tpu.memory_space<hbm>>) target(%dma_start3A_142 : memref<6400xf32, #tpu.memory_space<vmem_shared>>) target_semaphore(%run_scoped3A : memref<!tpu.dma_semaphore, #tpu.memory_space<semaphore_mem>>)
      %dma_wait3A_143 = tpu.memref_slice %arg10[%mul3A_4] : memref<102400xf32, #tpu.memory_space<vmem_shared>> -> memref<6400xf32, #tpu.memory_space<vmem_shared>>
      tpu.wait_dma2 semaphore(%run_scoped3A : memref<!tpu.dma_semaphore, #tpu.memory_space<semaphore_mem>>) src(%arg4 : memref<6400xf32, #tpu.memory_space<hbm>>) dst(%dma_wait3A_143 : memref<6400xf32, #tpu.memory_space<vmem_shared>>)
      tpu.yield
    }) : () -> ()
    %barrier3A = arith.constant 0 : index
    tpu.barrier barrier_id(%barrier3A)
    %dma_start3A = tpu.memref_slice %arg2[%mul3A_2] : memref<1600000xi32, #tpu.memory_space<hbm>> -> memref<5000xi32, #tpu.memory_space<hbm>>
    %dma_start3A_5 = tpu.memref_slice %arg2[%mul3A_2] : memref<1600000xi32, #tpu.memory_space<hbm>> -> memref<5000xi32, #tpu.memory_space<hbm>>
    tpu.enqueue_dma source(%dma_start3A_5 : memref<5000xi32, #tpu.memory_space<hbm>>) target(%arg6 : memref<5000xi32, #tpu.memory_space<vmem>>) target_semaphore(%arg11 : memref<!tpu.dma_semaphore, #tpu.memory_space<semaphore_mem>>)
    %dma_start3A_6 = tpu.memref_slice %arg3[%mul3A_2] : memref<1600000xf32, #tpu.memory_space<hbm>> -> memref<5000xf32, #tpu.memory_space<hbm>>
    %dma_start3A_7 = tpu.memref_slice %arg3[%mul3A_2] : memref<1600000xf32, #tpu.memory_space<hbm>> -> memref<5000xf32, #tpu.memory_space<hbm>>
    tpu.enqueue_dma source(%dma_start3A_7 : memref<5000xf32, #tpu.memory_space<hbm>>) target(%arg8 : memref<5000xf32, #tpu.memory_space<vmem>>) target_semaphore(%arg13 : memref<!tpu.dma_semaphore, #tpu.memory_space<semaphore_mem>>)
    %dma_wait3A = tpu.memref_slice %arg2[%mul3A_2] : memref<1600000xi32, #tpu.memory_space<hbm>> -> memref<5000xi32, #tpu.memory_space<hbm>>
    %dma_wait3A_8 = tpu.memref_slice %arg2[%mul3A_2] : memref<1600000xi32, #tpu.memory_space<hbm>> -> memref<5000xi32, #tpu.memory_space<hbm>>
    tpu.wait_dma2 semaphore(%arg11 : memref<!tpu.dma_semaphore, #tpu.memory_space<semaphore_mem>>) src(%dma_wait3A_8 : memref<5000xi32, #tpu.memory_space<hbm>>) dst(%arg6 : memref<5000xi32, #tpu.memory_space<vmem>>)
    %dma_wait3A_9 = tpu.memref_slice %arg3[%mul3A_2] : memref<1600000xf32, #tpu.memory_space<hbm>> -> memref<5000xf32, #tpu.memory_space<hbm>>
    %dma_wait3A_10 = tpu.memref_slice %arg3[%mul3A_2] : memref<1600000xf32, #tpu.memory_space<hbm>> -> memref<5000xf32, #tpu.memory_space<hbm>>
    tpu.wait_dma2 semaphore(%arg13 : memref<!tpu.dma_semaphore, #tpu.memory_space<semaphore_mem>>) src(%dma_wait3A_10 : memref<5000xf32, #tpu.memory_space<hbm>>) dst(%arg8 : memref<5000xf32, #tpu.memory_space<vmem>>)
    %add3A_11 = arith.constant 5000 : i32
    %add3A_12 = arith.addi %mul3A_2, %add3A_11 : i32
    %dma_start3A_13 = tpu.memref_slice %arg2[%add3A_12] : memref<1600000xi32, #tpu.memory_space<hbm>> -> memref<5000xi32, #tpu.memory_space<hbm>>
    %dma_start3A_14 = tpu.memref_slice %arg2[%add3A_12] : memref<1600000xi32, #tpu.memory_space<hbm>> -> memref<5000xi32, #tpu.memory_space<hbm>>
    tpu.enqueue_dma source(%dma_start3A_14 : memref<5000xi32, #tpu.memory_space<hbm>>) target(%arg7 : memref<5000xi32, #tpu.memory_space<vmem>>) target_semaphore(%arg12 : memref<!tpu.dma_semaphore, #tpu.memory_space<semaphore_mem>>)
    %dma_start3A_15 = tpu.memref_slice %arg3[%add3A_12] : memref<1600000xf32, #tpu.memory_space<hbm>> -> memref<5000xf32, #tpu.memory_space<hbm>>
    %dma_start3A_16 = tpu.memref_slice %arg3[%add3A_12] : memref<1600000xf32, #tpu.memory_space<hbm>> -> memref<5000xf32, #tpu.memory_space<hbm>>
    tpu.enqueue_dma source(%dma_start3A_16 : memref<5000xf32, #tpu.memory_space<hbm>>) target(%arg9 : memref<5000xf32, #tpu.memory_space<vmem>>) target_semaphore(%arg14 : memref<!tpu.dma_semaphore, #tpu.memory_space<semaphore_mem>>)
    %dma_start3A_17 = arith.constant 0 : i32
    %dma_start3A_18 = tpu.memref_slice %arg10[%dma_start3A_17] : memref<102400xf32, #tpu.memory_space<vmem_shared>> -> memref<102400xf32, #tpu.memory_space<vmem_shared>>
    tpu.enqueue_indirect_dma source(%arg8 : memref<5000xf32, #tpu.memory_space<vmem>>) target(%dma_start3A_18 : memref<102400xf32, #tpu.memory_space<vmem_shared>>) offsets(%arg6 : memref<5000xi32, #tpu.memory_space<vmem>>) semaphore(%arg15 : memref<!tpu.dma_semaphore, #tpu.memory_space<semaphore_mem>>) {add = true}
    %dma_wait3A_19 = tpu.memref_slice %arg2[%add3A_12] : memref<1600000xi32, #tpu.memory_space<hbm>> -> memref<5000xi32, #tpu.memory_space<hbm>>
    %dma_wait3A_20 = tpu.memref_slice %arg2[%add3A_12] : memref<1600000xi32, #tpu.memory_space<hbm>> -> memref<5000xi32, #tpu.memory_space<hbm>>
    tpu.wait_dma2 semaphore(%arg12 : memref<!tpu.dma_semaphore, #tpu.memory_space<semaphore_mem>>) src(%dma_wait3A_20 : memref<5000xi32, #tpu.memory_space<hbm>>) dst(%arg7 : memref<5000xi32, #tpu.memory_space<vmem>>)
    %dma_wait3A_21 = tpu.memref_slice %arg3[%add3A_12] : memref<1600000xf32, #tpu.memory_space<hbm>> -> memref<5000xf32, #tpu.memory_space<hbm>>
    %dma_wait3A_22 = tpu.memref_slice %arg3[%add3A_12] : memref<1600000xf32, #tpu.memory_space<hbm>> -> memref<5000xf32, #tpu.memory_space<hbm>>
    tpu.wait_dma2 semaphore(%arg14 : memref<!tpu.dma_semaphore, #tpu.memory_space<semaphore_mem>>) src(%dma_wait3A_22 : memref<5000xf32, #tpu.memory_space<hbm>>) dst(%arg9 : memref<5000xf32, #tpu.memory_space<vmem>>)
    %dma_wait3A_23 = arith.constant 0 : i32
    %dma_wait3A_24 = tpu.memref_slice %arg10[%dma_wait3A_23] : memref<102400xf32, #tpu.memory_space<vmem_shared>> -> memref<102400xf32, #tpu.memory_space<vmem_shared>>
    tpu.wait_indirect_dma semaphore(%arg15 : memref<!tpu.dma_semaphore, #tpu.memory_space<semaphore_mem>>) src(%arg8 : memref<5000xf32, #tpu.memory_space<vmem>>) dst(%dma_wait3A_24 : memref<102400xf32, #tpu.memory_space<vmem_shared>>)
    %add3A_25 = arith.constant 10000 : i32
    %add3A_26 = arith.addi %mul3A_2, %add3A_25 : i32
    %dma_start3A_27 = tpu.memref_slice %arg2[%add3A_26] : memref<1600000xi32, #tpu.memory_space<hbm>> -> memref<5000xi32, #tpu.memory_space<hbm>>
    %dma_start3A_28 = tpu.memref_slice %arg2[%add3A_26] : memref<1600000xi32, #tpu.memory_space<hbm>> -> memref<5000xi32, #tpu.memory_space<hbm>>
    tpu.enqueue_dma source(%dma_start3A_28 : memref<5000xi32, #tpu.memory_space<hbm>>) target(%arg6 : memref<5000xi32, #tpu.memory_space<vmem>>) target_semaphore(%arg11 : memref<!tpu.dma_semaphore, #tpu.memory_space<semaphore_mem>>)
    %dma_start3A_29 = tpu.memref_slice %arg3[%add3A_26] : memref<1600000xf32, #tpu.memory_space<hbm>> -> memref<5000xf32, #tpu.memory_space<hbm>>
    %dma_start3A_30 = tpu.memref_slice %arg3[%add3A_26] : memref<1600000xf32, #tpu.memory_space<hbm>> -> memref<5000xf32, #tpu.memory_space<hbm>>
    tpu.enqueue_dma source(%dma_start3A_30 : memref<5000xf32, #tpu.memory_space<hbm>>) target(%arg8 : memref<5000xf32, #tpu.memory_space<vmem>>) target_semaphore(%arg13 : memref<!tpu.dma_semaphore, #tpu.memory_space<semaphore_mem>>)
    %dma_start3A_31 = arith.constant 0 : i32
    %dma_start3A_32 = tpu.memref_slice %arg10[%dma_start3A_31] : memref<102400xf32, #tpu.memory_space<vmem_shared>> -> memref<102400xf32, #tpu.memory_space<vmem_shared>>
    tpu.enqueue_indirect_dma source(%arg9 : memref<5000xf32, #tpu.memory_space<vmem>>) target(%dma_start3A_32 : memref<102400xf32, #tpu.memory_space<vmem_shared>>) offsets(%arg7 : memref<5000xi32, #tpu.memory_space<vmem>>) semaphore(%arg16 : memref<!tpu.dma_semaphore, #tpu.memory_space<semaphore_mem>>) {add = true}
    %dma_wait3A_33 = tpu.memref_slice %arg2[%add3A_26] : memref<1600000xi32, #tpu.memory_space<hbm>> -> memref<5000xi32, #tpu.memory_space<hbm>>
    %dma_wait3A_34 = tpu.memref_slice %arg2[%add3A_26] : memref<1600000xi32, #tpu.memory_space<hbm>> -> memref<5000xi32, #tpu.memory_space<hbm>>
    tpu.wait_dma2 semaphore(%arg11 : memref<!tpu.dma_semaphore, #tpu.memory_space<semaphore_mem>>) src(%dma_wait3A_34 : memref<5000xi32, #tpu.memory_space<hbm>>) dst(%arg6 : memref<5000xi32, #tpu.memory_space<vmem>>)
    %dma_wait3A_35 = tpu.memref_slice %arg3[%add3A_26] : memref<1600000xf32, #tpu.memory_space<hbm>> -> memref<5000xf32, #tpu.memory_space<hbm>>
    %dma_wait3A_36 = tpu.memref_slice %arg3[%add3A_26] : memref<1600000xf32, #tpu.memory_space<hbm>> -> memref<5000xf32, #tpu.memory_space<hbm>>
    tpu.wait_dma2 semaphore(%arg13 : memref<!tpu.dma_semaphore, #tpu.memory_space<semaphore_mem>>) src(%dma_wait3A_36 : memref<5000xf32, #tpu.memory_space<hbm>>) dst(%arg8 : memref<5000xf32, #tpu.memory_space<vmem>>)
    %dma_wait3A_37 = arith.constant 0 : i32
    %dma_wait3A_38 = tpu.memref_slice %arg10[%dma_wait3A_37] : memref<102400xf32, #tpu.memory_space<vmem_shared>> -> memref<102400xf32, #tpu.memory_space<vmem_shared>>
    tpu.wait_indirect_dma semaphore(%arg16 : memref<!tpu.dma_semaphore, #tpu.memory_space<semaphore_mem>>) src(%arg9 : memref<5000xf32, #tpu.memory_space<vmem>>) dst(%dma_wait3A_38 : memref<102400xf32, #tpu.memory_space<vmem_shared>>)
    %add3A_39 = arith.constant 15000 : i32
    %add3A_40 = arith.addi %mul3A_2, %add3A_39 : i32
    %dma_start3A_41 = tpu.memref_slice %arg2[%add3A_40] : memref<1600000xi32, #tpu.memory_space<hbm>> -> memref<5000xi32, #tpu.memory_space<hbm>>
    %dma_start3A_42 = tpu.memref_slice %arg2[%add3A_40] : memref<1600000xi32, #tpu.memory_space<hbm>> -> memref<5000xi32, #tpu.memory_space<hbm>>
    tpu.enqueue_dma source(%dma_start3A_42 : memref<5000xi32, #tpu.memory_space<hbm>>) target(%arg7 : memref<5000xi32, #tpu.memory_space<vmem>>) target_semaphore(%arg12 : memref<!tpu.dma_semaphore, #tpu.memory_space<semaphore_mem>>)
    %dma_start3A_43 = tpu.memref_slice %arg3[%add3A_40] : memref<1600000xf32, #tpu.memory_space<hbm>> -> memref<5000xf32, #tpu.memory_space<hbm>>
    %dma_start3A_44 = tpu.memref_slice %arg3[%add3A_40] : memref<1600000xf32, #tpu.memory_space<hbm>> -> memref<5000xf32, #tpu.memory_space<hbm>>
    tpu.enqueue_dma source(%dma_start3A_44 : memref<5000xf32, #tpu.memory_space<hbm>>) target(%arg9 : memref<5000xf32, #tpu.memory_space<vmem>>) target_semaphore(%arg14 : memref<!tpu.dma_semaphore, #tpu.memory_space<semaphore_mem>>)
    %dma_start3A_45 = arith.constant 0 : i32
    %dma_start3A_46 = tpu.memref_slice %arg10[%dma_start3A_45] : memref<102400xf32, #tpu.memory_space<vmem_shared>> -> memref<102400xf32, #tpu.memory_space<vmem_shared>>
    tpu.enqueue_indirect_dma source(%arg8 : memref<5000xf32, #tpu.memory_space<vmem>>) target(%dma_start3A_46 : memref<102400xf32, #tpu.memory_space<vmem_shared>>) offsets(%arg6 : memref<5000xi32, #tpu.memory_space<vmem>>) semaphore(%arg15 : memref<!tpu.dma_semaphore, #tpu.memory_space<semaphore_mem>>) {add = true}
    %dma_wait3A_47 = tpu.memref_slice %arg2[%add3A_40] : memref<1600000xi32, #tpu.memory_space<hbm>> -> memref<5000xi32, #tpu.memory_space<hbm>>
    %dma_wait3A_48 = tpu.memref_slice %arg2[%add3A_40] : memref<1600000xi32, #tpu.memory_space<hbm>> -> memref<5000xi32, #tpu.memory_space<hbm>>
    tpu.wait_dma2 semaphore(%arg12 : memref<!tpu.dma_semaphore, #tpu.memory_space<semaphore_mem>>) src(%dma_wait3A_48 : memref<5000xi32, #tpu.memory_space<hbm>>) dst(%arg7 : memref<5000xi32, #tpu.memory_space<vmem>>)
    %dma_wait3A_49 = tpu.memref_slice %arg3[%add3A_40] : memref<1600000xf32, #tpu.memory_space<hbm>> -> memref<5000xf32, #tpu.memory_space<hbm>>
    %dma_wait3A_50 = tpu.memref_slice %arg3[%add3A_40] : memref<1600000xf32, #tpu.memory_space<hbm>> -> memref<5000xf32, #tpu.memory_space<hbm>>
    tpu.wait_dma2 semaphore(%arg14 : memref<!tpu.dma_semaphore, #tpu.memory_space<semaphore_mem>>) src(%dma_wait3A_50 : memref<5000xf32, #tpu.memory_space<hbm>>) dst(%arg9 : memref<5000xf32, #tpu.memory_space<vmem>>)
    %dma_wait3A_51 = arith.constant 0 : i32
    %dma_wait3A_52 = tpu.memref_slice %arg10[%dma_wait3A_51] : memref<102400xf32, #tpu.memory_space<vmem_shared>> -> memref<102400xf32, #tpu.memory_space<vmem_shared>>
    tpu.wait_indirect_dma semaphore(%arg15 : memref<!tpu.dma_semaphore, #tpu.memory_space<semaphore_mem>>) src(%arg8 : memref<5000xf32, #tpu.memory_space<vmem>>) dst(%dma_wait3A_52 : memref<102400xf32, #tpu.memory_space<vmem_shared>>)
    %add3A_53 = arith.constant 20000 : i32
    %add3A_54 = arith.addi %mul3A_2, %add3A_53 : i32
    %dma_start3A_55 = tpu.memref_slice %arg2[%add3A_54] : memref<1600000xi32, #tpu.memory_space<hbm>> -> memref<5000xi32, #tpu.memory_space<hbm>>
    %dma_start3A_56 = tpu.memref_slice %arg2[%add3A_54] : memref<1600000xi32, #tpu.memory_space<hbm>> -> memref<5000xi32, #tpu.memory_space<hbm>>
    tpu.enqueue_dma source(%dma_start3A_56 : memref<5000xi32, #tpu.memory_space<hbm>>) target(%arg6 : memref<5000xi32, #tpu.memory_space<vmem>>) target_semaphore(%arg11 : memref<!tpu.dma_semaphore, #tpu.memory_space<semaphore_mem>>)
    %dma_start3A_57 = tpu.memref_slice %arg3[%add3A_54] : memref<1600000xf32, #tpu.memory_space<hbm>> -> memref<5000xf32, #tpu.memory_space<hbm>>
    %dma_start3A_58 = tpu.memref_slice %arg3[%add3A_54] : memref<1600000xf32, #tpu.memory_space<hbm>> -> memref<5000xf32, #tpu.memory_space<hbm>>
    tpu.enqueue_dma source(%dma_start3A_58 : memref<5000xf32, #tpu.memory_space<hbm>>) target(%arg8 : memref<5000xf32, #tpu.memory_space<vmem>>) target_semaphore(%arg13 : memref<!tpu.dma_semaphore, #tpu.memory_space<semaphore_mem>>)
    %dma_start3A_59 = arith.constant 0 : i32
    %dma_start3A_60 = tpu.memref_slice %arg10[%dma_start3A_59] : memref<102400xf32, #tpu.memory_space<vmem_shared>> -> memref<102400xf32, #tpu.memory_space<vmem_shared>>
    tpu.enqueue_indirect_dma source(%arg9 : memref<5000xf32, #tpu.memory_space<vmem>>) target(%dma_start3A_60 : memref<102400xf32, #tpu.memory_space<vmem_shared>>) offsets(%arg7 : memref<5000xi32, #tpu.memory_space<vmem>>) semaphore(%arg16 : memref<!tpu.dma_semaphore, #tpu.memory_space<semaphore_mem>>) {add = true}
    %dma_wait3A_61 = tpu.memref_slice %arg2[%add3A_54] : memref<1600000xi32, #tpu.memory_space<hbm>> -> memref<5000xi32, #tpu.memory_space<hbm>>
    %dma_wait3A_62 = tpu.memref_slice %arg2[%add3A_54] : memref<1600000xi32, #tpu.memory_space<hbm>> -> memref<5000xi32, #tpu.memory_space<hbm>>
    tpu.wait_dma2 semaphore(%arg11 : memref<!tpu.dma_semaphore, #tpu.memory_space<semaphore_mem>>) src(%dma_wait3A_62 : memref<5000xi32, #tpu.memory_space<hbm>>) dst(%arg6 : memref<5000xi32, #tpu.memory_space<vmem>>)
    %dma_wait3A_63 = tpu.memref_slice %arg3[%add3A_54] : memref<1600000xf32, #tpu.memory_space<hbm>> -> memref<5000xf32, #tpu.memory_space<hbm>>
    %dma_wait3A_64 = tpu.memref_slice %arg3[%add3A_54] : memref<1600000xf32, #tpu.memory_space<hbm>> -> memref<5000xf32, #tpu.memory_space<hbm>>
    tpu.wait_dma2 semaphore(%arg13 : memref<!tpu.dma_semaphore, #tpu.memory_space<semaphore_mem>>) src(%dma_wait3A_64 : memref<5000xf32, #tpu.memory_space<hbm>>) dst(%arg8 : memref<5000xf32, #tpu.memory_space<vmem>>)
    %dma_wait3A_65 = arith.constant 0 : i32
    %dma_wait3A_66 = tpu.memref_slice %arg10[%dma_wait3A_65] : memref<102400xf32, #tpu.memory_space<vmem_shared>> -> memref<102400xf32, #tpu.memory_space<vmem_shared>>
    tpu.wait_indirect_dma semaphore(%arg16 : memref<!tpu.dma_semaphore, #tpu.memory_space<semaphore_mem>>) src(%arg9 : memref<5000xf32, #tpu.memory_space<vmem>>) dst(%dma_wait3A_66 : memref<102400xf32, #tpu.memory_space<vmem_shared>>)
    %add3A_67 = arith.constant 25000 : i32
    %add3A_68 = arith.addi %mul3A_2, %add3A_67 : i32
    %dma_start3A_69 = tpu.memref_slice %arg2[%add3A_68] : memref<1600000xi32, #tpu.memory_space<hbm>> -> memref<5000xi32, #tpu.memory_space<hbm>>
    %dma_start3A_70 = tpu.memref_slice %arg2[%add3A_68] : memref<1600000xi32, #tpu.memory_space<hbm>> -> memref<5000xi32, #tpu.memory_space<hbm>>
    tpu.enqueue_dma source(%dma_start3A_70 : memref<5000xi32, #tpu.memory_space<hbm>>) target(%arg7 : memref<5000xi32, #tpu.memory_space<vmem>>) target_semaphore(%arg12 : memref<!tpu.dma_semaphore, #tpu.memory_space<semaphore_mem>>)
    %dma_start3A_71 = tpu.memref_slice %arg3[%add3A_68] : memref<1600000xf32, #tpu.memory_space<hbm>> -> memref<5000xf32, #tpu.memory_space<hbm>>
    %dma_start3A_72 = tpu.memref_slice %arg3[%add3A_68] : memref<1600000xf32, #tpu.memory_space<hbm>> -> memref<5000xf32, #tpu.memory_space<hbm>>
    tpu.enqueue_dma source(%dma_start3A_72 : memref<5000xf32, #tpu.memory_space<hbm>>) target(%arg9 : memref<5000xf32, #tpu.memory_space<vmem>>) target_semaphore(%arg14 : memref<!tpu.dma_semaphore, #tpu.memory_space<semaphore_mem>>)
    %dma_start3A_73 = arith.constant 0 : i32
    %dma_start3A_74 = tpu.memref_slice %arg10[%dma_start3A_73] : memref<102400xf32, #tpu.memory_space<vmem_shared>> -> memref<102400xf32, #tpu.memory_space<vmem_shared>>
    tpu.enqueue_indirect_dma source(%arg8 : memref<5000xf32, #tpu.memory_space<vmem>>) target(%dma_start3A_74 : memref<102400xf32, #tpu.memory_space<vmem_shared>>) offsets(%arg6 : memref<5000xi32, #tpu.memory_space<vmem>>) semaphore(%arg15 : memref<!tpu.dma_semaphore, #tpu.memory_space<semaphore_mem>>) {add = true}
    %dma_wait3A_75 = tpu.memref_slice %arg2[%add3A_68] : memref<1600000xi32, #tpu.memory_space<hbm>> -> memref<5000xi32, #tpu.memory_space<hbm>>
    %dma_wait3A_76 = tpu.memref_slice %arg2[%add3A_68] : memref<1600000xi32, #tpu.memory_space<hbm>> -> memref<5000xi32, #tpu.memory_space<hbm>>
    tpu.wait_dma2 semaphore(%arg12 : memref<!tpu.dma_semaphore, #tpu.memory_space<semaphore_mem>>) src(%dma_wait3A_76 : memref<5000xi32, #tpu.memory_space<hbm>>) dst(%arg7 : memref<5000xi32, #tpu.memory_space<vmem>>)
    %dma_wait3A_77 = tpu.memref_slice %arg3[%add3A_68] : memref<1600000xf32, #tpu.memory_space<hbm>> -> memref<5000xf32, #tpu.memory_space<hbm>>
    %dma_wait3A_78 = tpu.memref_slice %arg3[%add3A_68] : memref<1600000xf32, #tpu.memory_space<hbm>> -> memref<5000xf32, #tpu.memory_space<hbm>>
    tpu.wait_dma2 semaphore(%arg14 : memref<!tpu.dma_semaphore, #tpu.memory_space<semaphore_mem>>) src(%dma_wait3A_78 : memref<5000xf32, #tpu.memory_space<hbm>>) dst(%arg9 : memref<5000xf32, #tpu.memory_space<vmem>>)
    %dma_wait3A_79 = arith.constant 0 : i32
    %dma_wait3A_80 = tpu.memref_slice %arg10[%dma_wait3A_79] : memref<102400xf32, #tpu.memory_space<vmem_shared>> -> memref<102400xf32, #tpu.memory_space<vmem_shared>>
    tpu.wait_indirect_dma semaphore(%arg15 : memref<!tpu.dma_semaphore, #tpu.memory_space<semaphore_mem>>) src(%arg8 : memref<5000xf32, #tpu.memory_space<vmem>>) dst(%dma_wait3A_80 : memref<102400xf32, #tpu.memory_space<vmem_shared>>)
    %add3A_81 = arith.constant 30000 : i32
    %add3A_82 = arith.addi %mul3A_2, %add3A_81 : i32
    %dma_start3A_83 = tpu.memref_slice %arg2[%add3A_82] : memref<1600000xi32, #tpu.memory_space<hbm>> -> memref<5000xi32, #tpu.memory_space<hbm>>
    %dma_start3A_84 = tpu.memref_slice %arg2[%add3A_82] : memref<1600000xi32, #tpu.memory_space<hbm>> -> memref<5000xi32, #tpu.memory_space<hbm>>
    tpu.enqueue_dma source(%dma_start3A_84 : memref<5000xi32, #tpu.memory_space<hbm>>) target(%arg6 : memref<5000xi32, #tpu.memory_space<vmem>>) target_semaphore(%arg11 : memref<!tpu.dma_semaphore, #tpu.memory_space<semaphore_mem>>)
    %dma_start3A_85 = tpu.memref_slice %arg3[%add3A_82] : memref<1600000xf32, #tpu.memory_space<hbm>> -> memref<5000xf32, #tpu.memory_space<hbm>>
    %dma_start3A_86 = tpu.memref_slice %arg3[%add3A_82] : memref<1600000xf32, #tpu.memory_space<hbm>> -> memref<5000xf32, #tpu.memory_space<hbm>>
    tpu.enqueue_dma source(%dma_start3A_86 : memref<5000xf32, #tpu.memory_space<hbm>>) target(%arg8 : memref<5000xf32, #tpu.memory_space<vmem>>) target_semaphore(%arg13 : memref<!tpu.dma_semaphore, #tpu.memory_space<semaphore_mem>>)
    %dma_start3A_87 = arith.constant 0 : i32
    %dma_start3A_88 = tpu.memref_slice %arg10[%dma_start3A_87] : memref<102400xf32, #tpu.memory_space<vmem_shared>> -> memref<102400xf32, #tpu.memory_space<vmem_shared>>
    tpu.enqueue_indirect_dma source(%arg9 : memref<5000xf32, #tpu.memory_space<vmem>>) target(%dma_start3A_88 : memref<102400xf32, #tpu.memory_space<vmem_shared>>) offsets(%arg7 : memref<5000xi32, #tpu.memory_space<vmem>>) semaphore(%arg16 : memref<!tpu.dma_semaphore, #tpu.memory_space<semaphore_mem>>) {add = true}
    %dma_wait3A_89 = tpu.memref_slice %arg2[%add3A_82] : memref<1600000xi32, #tpu.memory_space<hbm>> -> memref<5000xi32, #tpu.memory_space<hbm>>
    %dma_wait3A_90 = tpu.memref_slice %arg2[%add3A_82] : memref<1600000xi32, #tpu.memory_space<hbm>> -> memref<5000xi32, #tpu.memory_space<hbm>>
    tpu.wait_dma2 semaphore(%arg11 : memref<!tpu.dma_semaphore, #tpu.memory_space<semaphore_mem>>) src(%dma_wait3A_90 : memref<5000xi32, #tpu.memory_space<hbm>>) dst(%arg6 : memref<5000xi32, #tpu.memory_space<vmem>>)
    %dma_wait3A_91 = tpu.memref_slice %arg3[%add3A_82] : memref<1600000xf32, #tpu.memory_space<hbm>> -> memref<5000xf32, #tpu.memory_space<hbm>>
    %dma_wait3A_92 = tpu.memref_slice %arg3[%add3A_82] : memref<1600000xf32, #tpu.memory_space<hbm>> -> memref<5000xf32, #tpu.memory_space<hbm>>
    tpu.wait_dma2 semaphore(%arg13 : memref<!tpu.dma_semaphore, #tpu.memory_space<semaphore_mem>>) src(%dma_wait3A_92 : memref<5000xf32, #tpu.memory_space<hbm>>) dst(%arg8 : memref<5000xf32, #tpu.memory_space<vmem>>)
    %dma_wait3A_93 = arith.constant 0 : i32
    %dma_wait3A_94 = tpu.memref_slice %arg10[%dma_wait3A_93] : memref<102400xf32, #tpu.memory_space<vmem_shared>> -> memref<102400xf32, #tpu.memory_space<vmem_shared>>
    tpu.wait_indirect_dma semaphore(%arg16 : memref<!tpu.dma_semaphore, #tpu.memory_space<semaphore_mem>>) src(%arg9 : memref<5000xf32, #tpu.memory_space<vmem>>) dst(%dma_wait3A_94 : memref<102400xf32, #tpu.memory_space<vmem_shared>>)
    %add3A_95 = arith.constant 35000 : i32
    %add3A_96 = arith.addi %mul3A_2, %add3A_95 : i32
    %dma_start3A_97 = tpu.memref_slice %arg2[%add3A_96] : memref<1600000xi32, #tpu.memory_space<hbm>> -> memref<5000xi32, #tpu.memory_space<hbm>>
    %dma_start3A_98 = tpu.memref_slice %arg2[%add3A_96] : memref<1600000xi32, #tpu.memory_space<hbm>> -> memref<5000xi32, #tpu.memory_space<hbm>>
    tpu.enqueue_dma source(%dma_start3A_98 : memref<5000xi32, #tpu.memory_space<hbm>>) target(%arg7 : memref<5000xi32, #tpu.memory_space<vmem>>) target_semaphore(%arg12 : memref<!tpu.dma_semaphore, #tpu.memory_space<semaphore_mem>>)
    %dma_start3A_99 = tpu.memref_slice %arg3[%add3A_96] : memref<1600000xf32, #tpu.memory_space<hbm>> -> memref<5000xf32, #tpu.memory_space<hbm>>
    %dma_start3A_100 = tpu.memref_slice %arg3[%add3A_96] : memref<1600000xf32, #tpu.memory_space<hbm>> -> memref<5000xf32, #tpu.memory_space<hbm>>
    tpu.enqueue_dma source(%dma_start3A_100 : memref<5000xf32, #tpu.memory_space<hbm>>) target(%arg9 : memref<5000xf32, #tpu.memory_space<vmem>>) target_semaphore(%arg14 : memref<!tpu.dma_semaphore, #tpu.memory_space<semaphore_mem>>)
    %dma_start3A_101 = arith.constant 0 : i32
    %dma_start3A_102 = tpu.memref_slice %arg10[%dma_start3A_101] : memref<102400xf32, #tpu.memory_space<vmem_shared>> -> memref<102400xf32, #tpu.memory_space<vmem_shared>>
    tpu.enqueue_indirect_dma source(%arg8 : memref<5000xf32, #tpu.memory_space<vmem>>) target(%dma_start3A_102 : memref<102400xf32, #tpu.memory_space<vmem_shared>>) offsets(%arg6 : memref<5000xi32, #tpu.memory_space<vmem>>) semaphore(%arg15 : memref<!tpu.dma_semaphore, #tpu.memory_space<semaphore_mem>>) {add = true}
    %dma_wait3A_103 = tpu.memref_slice %arg2[%add3A_96] : memref<1600000xi32, #tpu.memory_space<hbm>> -> memref<5000xi32, #tpu.memory_space<hbm>>
    %dma_wait3A_104 = tpu.memref_slice %arg2[%add3A_96] : memref<1600000xi32, #tpu.memory_space<hbm>> -> memref<5000xi32, #tpu.memory_space<hbm>>
    tpu.wait_dma2 semaphore(%arg12 : memref<!tpu.dma_semaphore, #tpu.memory_space<semaphore_mem>>) src(%dma_wait3A_104 : memref<5000xi32, #tpu.memory_space<hbm>>) dst(%arg7 : memref<5000xi32, #tpu.memory_space<vmem>>)
    %dma_wait3A_105 = tpu.memref_slice %arg3[%add3A_96] : memref<1600000xf32, #tpu.memory_space<hbm>> -> memref<5000xf32, #tpu.memory_space<hbm>>
    %dma_wait3A_106 = tpu.memref_slice %arg3[%add3A_96] : memref<1600000xf32, #tpu.memory_space<hbm>> -> memref<5000xf32, #tpu.memory_space<hbm>>
    tpu.wait_dma2 semaphore(%arg14 : memref<!tpu.dma_semaphore, #tpu.memory_space<semaphore_mem>>) src(%dma_wait3A_106 : memref<5000xf32, #tpu.memory_space<hbm>>) dst(%arg9 : memref<5000xf32, #tpu.memory_space<vmem>>)
    %dma_wait3A_107 = arith.constant 0 : i32
    %dma_wait3A_108 = tpu.memref_slice %arg10[%dma_wait3A_107] : memref<102400xf32, #tpu.memory_space<vmem_shared>> -> memref<102400xf32, #tpu.memory_space<vmem_shared>>
    tpu.wait_indirect_dma semaphore(%arg15 : memref<!tpu.dma_semaphore, #tpu.memory_space<semaphore_mem>>) src(%arg8 : memref<5000xf32, #tpu.memory_space<vmem>>) dst(%dma_wait3A_108 : memref<102400xf32, #tpu.memory_space<vmem_shared>>)
    %add3A_109 = arith.constant 40000 : i32
    %add3A_110 = arith.addi %mul3A_2, %add3A_109 : i32
    %dma_start3A_111 = tpu.memref_slice %arg2[%add3A_110] : memref<1600000xi32, #tpu.memory_space<hbm>> -> memref<5000xi32, #tpu.memory_space<hbm>>
    %dma_start3A_112 = tpu.memref_slice %arg2[%add3A_110] : memref<1600000xi32, #tpu.memory_space<hbm>> -> memref<5000xi32, #tpu.memory_space<hbm>>
    tpu.enqueue_dma source(%dma_start3A_112 : memref<5000xi32, #tpu.memory_space<hbm>>) target(%arg6 : memref<5000xi32, #tpu.memory_space<vmem>>) target_semaphore(%arg11 : memref<!tpu.dma_semaphore, #tpu.memory_space<semaphore_mem>>)
    %dma_start3A_113 = tpu.memref_slice %arg3[%add3A_110] : memref<1600000xf32, #tpu.memory_space<hbm>> -> memref<5000xf32, #tpu.memory_space<hbm>>
    %dma_start3A_114 = tpu.memref_slice %arg3[%add3A_110] : memref<1600000xf32, #tpu.memory_space<hbm>> -> memref<5000xf32, #tpu.memory_space<hbm>>
    tpu.enqueue_dma source(%dma_start3A_114 : memref<5000xf32, #tpu.memory_space<hbm>>) target(%arg8 : memref<5000xf32, #tpu.memory_space<vmem>>) target_semaphore(%arg13 : memref<!tpu.dma_semaphore, #tpu.memory_space<semaphore_mem>>)
    %dma_start3A_115 = arith.constant 0 : i32
    %dma_start3A_116 = tpu.memref_slice %arg10[%dma_start3A_115] : memref<102400xf32, #tpu.memory_space<vmem_shared>> -> memref<102400xf32, #tpu.memory_space<vmem_shared>>
    tpu.enqueue_indirect_dma source(%arg9 : memref<5000xf32, #tpu.memory_space<vmem>>) target(%dma_start3A_116 : memref<102400xf32, #tpu.memory_space<vmem_shared>>) offsets(%arg7 : memref<5000xi32, #tpu.memory_space<vmem>>) semaphore(%arg16 : memref<!tpu.dma_semaphore, #tpu.memory_space<semaphore_mem>>) {add = true}
    %dma_wait3A_117 = tpu.memref_slice %arg2[%add3A_110] : memref<1600000xi32, #tpu.memory_space<hbm>> -> memref<5000xi32, #tpu.memory_space<hbm>>
    %dma_wait3A_118 = tpu.memref_slice %arg2[%add3A_110] : memref<1600000xi32, #tpu.memory_space<hbm>> -> memref<5000xi32, #tpu.memory_space<hbm>>
    tpu.wait_dma2 semaphore(%arg11 : memref<!tpu.dma_semaphore, #tpu.memory_space<semaphore_mem>>) src(%dma_wait3A_118 : memref<5000xi32, #tpu.memory_space<hbm>>) dst(%arg6 : memref<5000xi32, #tpu.memory_space<vmem>>)
    %dma_wait3A_119 = tpu.memref_slice %arg3[%add3A_110] : memref<1600000xf32, #tpu.memory_space<hbm>> -> memref<5000xf32, #tpu.memory_space<hbm>>
    %dma_wait3A_120 = tpu.memref_slice %arg3[%add3A_110] : memref<1600000xf32, #tpu.memory_space<hbm>> -> memref<5000xf32, #tpu.memory_space<hbm>>
    tpu.wait_dma2 semaphore(%arg13 : memref<!tpu.dma_semaphore, #tpu.memory_space<semaphore_mem>>) src(%dma_wait3A_120 : memref<5000xf32, #tpu.memory_space<hbm>>) dst(%arg8 : memref<5000xf32, #tpu.memory_space<vmem>>)
    %dma_wait3A_121 = arith.constant 0 : i32
    %dma_wait3A_122 = tpu.memref_slice %arg10[%dma_wait3A_121] : memref<102400xf32, #tpu.memory_space<vmem_shared>> -> memref<102400xf32, #tpu.memory_space<vmem_shared>>
    tpu.wait_indirect_dma semaphore(%arg16 : memref<!tpu.dma_semaphore, #tpu.memory_space<semaphore_mem>>) src(%arg9 : memref<5000xf32, #tpu.memory_space<vmem>>) dst(%dma_wait3A_122 : memref<102400xf32, #tpu.memory_space<vmem_shared>>)
    %add3A_123 = arith.constant 45000 : i32
    %add3A_124 = arith.addi %mul3A_2, %add3A_123 : i32
    %dma_start3A_125 = tpu.memref_slice %arg2[%add3A_124] : memref<1600000xi32, #tpu.memory_space<hbm>> -> memref<5000xi32, #tpu.memory_space<hbm>>
    %dma_start3A_126 = tpu.memref_slice %arg2[%add3A_124] : memref<1600000xi32, #tpu.memory_space<hbm>> -> memref<5000xi32, #tpu.memory_space<hbm>>
    tpu.enqueue_dma source(%dma_start3A_126 : memref<5000xi32, #tpu.memory_space<hbm>>) target(%arg7 : memref<5000xi32, #tpu.memory_space<vmem>>) target_semaphore(%arg12 : memref<!tpu.dma_semaphore, #tpu.memory_space<semaphore_mem>>)
    %dma_start3A_127 = tpu.memref_slice %arg3[%add3A_124] : memref<1600000xf32, #tpu.memory_space<hbm>> -> memref<5000xf32, #tpu.memory_space<hbm>>
    %dma_start3A_128 = tpu.memref_slice %arg3[%add3A_124] : memref<1600000xf32, #tpu.memory_space<hbm>> -> memref<5000xf32, #tpu.memory_space<hbm>>
    tpu.enqueue_dma source(%dma_start3A_128 : memref<5000xf32, #tpu.memory_space<hbm>>) target(%arg9 : memref<5000xf32, #tpu.memory_space<vmem>>) target_semaphore(%arg14 : memref<!tpu.dma_semaphore, #tpu.memory_space<semaphore_mem>>)
    %dma_start3A_129 = arith.constant 0 : i32
    %dma_start3A_130 = tpu.memref_slice %arg10[%dma_start3A_129] : memref<102400xf32, #tpu.memory_space<vmem_shared>> -> memref<102400xf32, #tpu.memory_space<vmem_shared>>
    tpu.enqueue_indirect_dma source(%arg8 : memref<5000xf32, #tpu.memory_space<vmem>>) target(%dma_start3A_130 : memref<102400xf32, #tpu.memory_space<vmem_shared>>) offsets(%arg6 : memref<5000xi32, #tpu.memory_space<vmem>>) semaphore(%arg15 : memref<!tpu.dma_semaphore, #tpu.memory_space<semaphore_mem>>) {add = true}
    %dma_wait3A_131 = tpu.memref_slice %arg2[%add3A_124] : memref<1600000xi32, #tpu.memory_space<hbm>> -> memref<5000xi32, #tpu.memory_space<hbm>>
    %dma_wait3A_132 = tpu.memref_slice %arg2[%add3A_124] : memref<1600000xi32, #tpu.memory_space<hbm>> -> memref<5000xi32, #tpu.memory_space<hbm>>
    tpu.wait_dma2 semaphore(%arg12 : memref<!tpu.dma_semaphore, #tpu.memory_space<semaphore_mem>>) src(%dma_wait3A_132 : memref<5000xi32, #tpu.memory_space<hbm>>) dst(%arg7 : memref<5000xi32, #tpu.memory_space<vmem>>)
    %dma_wait3A_133 = tpu.memref_slice %arg3[%add3A_124] : memref<1600000xf32, #tpu.memory_space<hbm>> -> memref<5000xf32, #tpu.memory_space<hbm>>
    %dma_wait3A_134 = tpu.memref_slice %arg3[%add3A_124] : memref<1600000xf32, #tpu.memory_space<hbm>> -> memref<5000xf32, #tpu.memory_space<hbm>>
    tpu.wait_dma2 semaphore(%arg14 : memref<!tpu.dma_semaphore, #tpu.memory_space<semaphore_mem>>) src(%dma_wait3A_134 : memref<5000xf32, #tpu.memory_space<hbm>>) dst(%arg9 : memref<5000xf32, #tpu.memory_space<vmem>>)
    %dma_start3A_135 = arith.constant 0 : i32
    %dma_start3A_136 = tpu.memref_slice %arg10[%dma_start3A_135] : memref<102400xf32, #tpu.memory_space<vmem_shared>> -> memref<102400xf32, #tpu.memory_space<vmem_shared>>
    tpu.enqueue_indirect_dma source(%arg9 : memref<5000xf32, #tpu.memory_space<vmem>>) target(%dma_start3A_136 : memref<102400xf32, #tpu.memory_space<vmem_shared>>) offsets(%arg7 : memref<5000xi32, #tpu.memory_space<vmem>>) semaphore(%arg16 : memref<!tpu.dma_semaphore, #tpu.memory_space<semaphore_mem>>) {add = true}
    %dma_wait3A_137 = arith.constant 0 : i32
    %dma_wait3A_138 = tpu.memref_slice %arg10[%dma_wait3A_137] : memref<102400xf32, #tpu.memory_space<vmem_shared>> -> memref<102400xf32, #tpu.memory_space<vmem_shared>>
    tpu.wait_indirect_dma semaphore(%arg15 : memref<!tpu.dma_semaphore, #tpu.memory_space<semaphore_mem>>) src(%arg8 : memref<5000xf32, #tpu.memory_space<vmem>>) dst(%dma_wait3A_138 : memref<102400xf32, #tpu.memory_space<vmem_shared>>)
    %dma_wait3A_139 = arith.constant 0 : i32
    %dma_wait3A_140 = tpu.memref_slice %arg10[%dma_wait3A_139] : memref<102400xf32, #tpu.memory_space<vmem_shared>> -> memref<102400xf32, #tpu.memory_space<vmem_shared>>
    tpu.wait_indirect_dma semaphore(%arg16 : memref<!tpu.dma_semaphore, #tpu.memory_space<semaphore_mem>>) src(%arg9 : memref<5000xf32, #tpu.memory_space<vmem>>) dst(%dma_wait3A_140 : memref<102400xf32, #tpu.memory_space<vmem_shared>>)
    %barrier3A_141 = arith.constant 0 : index
    tpu.barrier barrier_id(%barrier3A_141)
    "tpu.region"() ({
      %run_scoped3A = tpu.sem_alloc : memref<!tpu.dma_semaphore, #tpu.memory_space<semaphore_mem>>
      %dma_start3A_142 = tpu.memref_slice %arg5[%arg0, %mul3A_4] : memref<2x102400xf32, #tpu.memory_space<hbm>> -> memref<1x6400xf32, #tpu.memory_space<hbm>>
      %dma_start3A_143 = tpu.memref_squeeze %dma_start3A_142 : memref<1x6400xf32, #tpu.memory_space<hbm>> -> memref<6400xf32, #tpu.memory_space<hbm>>
      %dma_start3A_144 = tpu.memref_slice %arg10[%mul3A_4] : memref<102400xf32, #tpu.memory_space<vmem_shared>> -> memref<6400xf32, #tpu.memory_space<vmem_shared>>
      tpu.enqueue_dma source(%dma_start3A_144 : memref<6400xf32, #tpu.memory_space<vmem_shared>>) target(%dma_start3A_143 : memref<6400xf32, #tpu.memory_space<hbm>>) target_semaphore(%run_scoped3A : memref<!tpu.dma_semaphore, #tpu.memory_space<semaphore_mem>>)
      %dma_wait3A_145 = tpu.memref_slice %arg5[%arg0, %mul3A_4] : memref<2x102400xf32, #tpu.memory_space<hbm>> -> memref<1x6400xf32, #tpu.memory_space<hbm>>
      %dma_wait3A_146 = tpu.memref_squeeze %dma_wait3A_145 : memref<1x6400xf32, #tpu.memory_space<hbm>> -> memref<6400xf32, #tpu.memory_space<hbm>>
      %dma_wait3A_147 = tpu.memref_slice %arg10[%mul3A_4] : memref<102400xf32, #tpu.memory_space<vmem_shared>> -> memref<6400xf32, #tpu.memory_space<vmem_shared>>
      tpu.wait_dma2 semaphore(%run_scoped3A : memref<!tpu.dma_semaphore, #tpu.memory_space<semaphore_mem>>) src(%dma_wait3A_147 : memref<6400xf32, #tpu.memory_space<vmem_shared>>) dst(%dma_wait3A_146 : memref<6400xf32, #tpu.memory_space<hbm>>)
      tpu.yield
    }) : () -> ()
    return
  }
}

module attributes {stable_mosaic.version = 14 : i64} {
  func.func @_combine_body(%arg0: memref<2x800x128xf32, #tpu.memory_space<vmem>>, %arg1: memref<800x128xf32, #tpu.memory_space<vmem>>) attributes {dimension_semantics = [], scalar_prefetch = 0 : i64, scratch_operands = 0 : i64, tpu.core_type = #tpu.core_type<tc>} {
    %get3A = arith.constant 0 : index
    %get3A_0 = arith.constant 0 : index
    %get3A_1 = arith.constant 0 : index
    %get3A_2 = vector.load %arg0[%get3A, %get3A_0, %get3A_1] : memref<2x800x128xf32, #tpu.memory_space<vmem>>, vector<1x800x128xf32>
    %get3A_3 = vector.shape_cast %get3A_2 : vector<1x800x128xf32> to vector<800x128xf32>
    %get3A_4 = arith.constant 1 : index
    %get3A_5 = arith.constant 0 : index
    %get3A_6 = arith.constant 0 : index
    %get3A_7 = vector.load %arg0[%get3A_4, %get3A_5, %get3A_6] : memref<2x800x128xf32, #tpu.memory_space<vmem>>, vector<1x800x128xf32>
    %get3A_8 = vector.shape_cast %get3A_7 : vector<1x800x128xf32> to vector<800x128xf32>
    %add3A = arith.addf %get3A_3, %get3A_8 : vector<800x128xf32>
    %swap3A = arith.constant 0 : index
    %swap3A_9 = arith.constant 0 : index
    %swap3A_10 = vector.load %arg1[%swap3A, %swap3A_9] : memref<800x128xf32, #tpu.memory_space<vmem>>, vector<800x128xf32>
    tpu.vector_store %arg1[%swap3A, %swap3A_9], %add3A {strides = array<i32>} : memref<800x128xf32, #tpu.memory_space<vmem>>, vector<800x128xf32>,
    return
  }
}

</mosaic_0001>

<sc_bundles>
// kernel: kernel.4.cloned.1.call-start
scs
__scs_entry_jumppad:
0x0: {  	(pc) =	sbr.rel $0x88, $3  }
0x1: {  	(tag) =	ssettag $0x0;
	lr =	simm.s32 $0x1  }
0x2: {  	[smem:$0x3F9F] =	sst lr;
	_ =	strace $0xD0000000  }
0x3: {  	_ = 	snop  }
0x4: {  	_ = 	snop  }
0x5: {  	_ = 	snop  }
0x6: {  	_ = 	snop  }
0x7: {  	_ = 	snop  }
__scs_overlays_trampoline_lowered:
0x8: {  	[smem:$0x3FAE] =	sst s0  }
0x9: {  	[smem:$0x3FAF] =	sst s1  }
0xa: {  	[smem:$0x3FB0] =	sst s2  }
0xb: {  	[smem:$0x3FB1] =	sst s3  }
0xc: {  	[smem:$0x3FB2] =	sst s4  }
0xd: {  	[smem:$0x3FB3] =	sst s5  }
0xe: {  	[smem:$0x3FB4] =	sst s6  }
0xf: {  	[smem:$0x3FB5] =	sst s7  }
0x10: {  	[smem:$0x3FB6] =	sst s8  }
0x11: {  	[smem:$0x3FB7] =	sst s9;
	s0 =	simm.s32 @!p0 $0x0  }
0x12: {  	s1 =	sld [smem:$0x3F9D];
	s0 =	simm.s32 @p0 $0x1  }
0x13: {  	[smem:$0x3FB8] =	sst s0;
	s0 =	simm.s32 @!p1 $0x0  }
0x14: {  	s2 =	sld [smem:$0x3F9C];
	s0 =	simm.s32 @p1 $0x1  }
0x15: {  	[smem:$0x3FB9] =	sst s0;
	s0 =	simm.s32 @!p2 $0x0  }
0x16: {  	s3 =	sld [smem:$0x3FDB];
	s0 =	simm.s32 @p2 $0x1  }
0x17: {  	s4 =	simm.s32 $0x1BF5;
	[smem:$0x3FBB] =	sst s0  }
0x18: {  	s0 =	sld [smem:$0x3F9E];
	_ =	swait.ge [sflag:s4], $0x0  }
0x19: {  	s7 =	sld [smem:$0x3F9F]  }
0x1a: {  	s8 =	sadd.s32 $0xFFFFE003, lr  }
0x1b: {  	s9 =	sadd.s32 $0xFFFFFEF7, lr;
	s5 =	simm.s32 $0xFFFFFFFF;
	p2 =	slt.u32 s8, $0xFFFFF086  }
0x1c: {  	p1 =	slt.u32 s9, $0xF7A;
	s5 =	simm.s32 @!p2 $0x0  }
0x1d: {  	s5 =	simm.s32 @p1 $0x1;
	p0 =	seq.s32 s7, s2  }
0x1e: {  	s7 =	smul.u32 @!p0 $0xF7A, s2;
	p2 =	seq.s32 @!p0 s5, $0x0  }
0x1f: {  	s9 =	smul.u32 $0xF7A, s1;
	s8 =	simm.s32 @!p0 $0x1BF5;
	p2 =	por !p2, p0  }
0x20: {  	[sflag:s8] =	ssyncset.s32 @!p0 $0xFFFFF086;
	s6 =	sadd.s32 @!p0 s3, s7;
	s7 =	simm.s32 @!p0 $0x108  }
0x21: {  	s3 =	sadd.s32 s3, s9;
	s6 =	sadd.s32 @!p0 $0x88, s6;
	s7 =	simm.s32 @p2 $0x1082  }
0x22: {  	[simem:s7], [sflag:s8] =	dma.local @!p0 [hbm:s6], $0xF7A  }
0x23: {  	s9 =	sor.u32 $0xD0000000, s2;
	s6 =	simm.s32 $0x108;
	_ =	swait.ge @!p0 [sflag:s8], $0x0  }
0x24: {  	s3 =	sadd.s32 $0x88, s3;
	s6 =	simm.s32 @!p1 $0x1082;
	[sflag:s4] =	ssyncset.s32 $0xFFFFF086  }
0x25: {  	[simem:s6], [sflag:s4] =	dma.local [hbm:s3], $0xF7A  }
0x26: {  	[smem:$0x3F9F] =	sst s1;
	(tag) =	ssettag s2;
	_ =	strace s9  }
0x27: {  	s1 =	sld [smem:$0x3FAF]  }
0x28: {  	s2 =	sld [smem:$0x3FB0]  }
0x29: {  	s4 =	sld [smem:$0x3FB2]  }
0x2a: {  	p0 =	seq.s32 s5, $0x0;
	s5 =	sld [smem:$0x3FB3]  }
0x2b: {  	s6 =	sld [smem:$0x3FB4]  }
0x2c: {  	s7 =	sld [smem:$0x3FB5]  }
0x2d: {  	s3 =	simm.s32 $0x108;
	s8 =	sld [smem:$0x3FB6]  }
0x2e: {  	s3 =	simm.s32 @!p0 $0x1082;
	s9 =	sld [smem:$0x3FB7]  }
0x2f: {  	lr =	sadd.s32 s0, s3;
	s0 =	sld [smem:$0x3FAE]  }
0x30: {  	s3 =	sld [smem:$0x3FB1]  }
0x31: {  	[smem:$0x3FBA] =	sst s10  }
0x32: {  	s10 =	sld [smem:$0x3FB8];
	_ =	sdelay $0x3  }
0x33: {  	p0 =	seq.s32 s10, $0x1;
	s10 =	sld [smem:$0x3FBA];
	_ =	sdelay $0x3  }
0x34: {  	[smem:$0x3FBA] =	sst s10  }
0x35: {  	s10 =	sld [smem:$0x3FB9];
	_ =	sdelay $0x3  }
0x36: {  	p1 =	seq.s32 s10, $0x1;
	s10 =	sld [smem:$0x3FBA];
	_ =	sdelay $0x3  }
0x37: {  	[smem:$0x3FBA] =	sst s10  }
0x38: {  	s10 =	sld [smem:$0x3FBB]  }
0x39: {  	_ = 	snop;
	(pc) =	sbr.ind lr, $3  }
0x3a: {  	_ = 	snop  }
0x3b: {  	_ = 	snop  }
0x3c: {  	p2 =	seq.s32 s10, $0x1;
	s10 =	sld [smem:$0x3FBA]  }
0x3d: {  	_ =	shalt  }
0x3e: {  	_ =	shalt  }
0x3f: {  	_ =	shalt  }
0x40: {  	_ =	shalt  }
0x41: {  	_ =	shalt  }
0x42: {  	_ =	shalt  }
0x43: {  	_ =	shalt  }
0x44: {  	_ =	shalt  }
0x45: {  	_ =	shalt  }
0x46: {  	_ =	shalt  }
0x47: {  	_ =	shalt  }
0x48: {  	_ =	shalt  }
0x49: {  	_ =	shalt  }
0x4a: {  	_ =	shalt  }
0x4b: {  	_ =	shalt  }
0x4c: {  	_ =	shalt  }
0x4d: {  	_ =	shalt  }
0x4e: {  	_ =	shalt  }
0x4f: {  	_ =	shalt  }
0x50: {  	_ =	shalt  }
0x51: {  	_ =	shalt  }
0x52: {  	_ =	shalt  }
0x53: {  	_ =	shalt  }
0x54: {  	_ =	shalt  }
0x55: {  	_ =	shalt  }
0x56: {  	_ =	shalt  }
0x57: {  	_ =	shalt  }
0x58: {  	_ =	shalt  }
0x59: {  	_ =	shalt  }
0x5a: {  	_ =	shalt  }
0x5b: {  	_ =	shalt  }
0x5c: {  	_ =	shalt  }
0x5d: {  	_ =	shalt  }
0x5e: {  	_ =	shalt  }
0x5f: {  	_ =	shalt  }
0x60: {  	_ =	shalt  }
0x61: {  	_ =	shalt  }
0x62: {  	_ =	shalt  }
0x63: {  	_ =	shalt  }
0x64: {  	_ =	shalt  }
0x65: {  	_ =	shalt  }
0x66: {  	_ =	shalt  }
0x67: {  	_ =	shalt  }
0x68: {  	_ =	shalt  }
0x69: {  	_ =	shalt  }
0x6a: {  	_ =	shalt  }
0x6b: {  	_ =	shalt  }
0x6c: {  	_ =	shalt  }
0x6d: {  	_ =	shalt  }
0x6e: {  	_ =	shalt  }
0x6f: {  	_ =	shalt  }
0x70: {  	_ =	shalt  }
0x71: {  	_ =	shalt  }
0x72: {  	_ =	shalt  }
0x73: {  	_ =	shalt  }
0x74: {  	_ =	shalt  }
0x75: {  	_ =	shalt  }
0x76: {  	_ =	shalt  }
0x77: {  	_ =	shalt  }
0x78: {  	_ =	shalt  }
0x79: {  	_ =	shalt  }
0x7a: {  	_ =	shalt  }
0x7b: {  	_ =	shalt  }
0x7c: {  	_ =	shalt  }
0x7d: {  	_ =	shalt  }
0x7e: {  	_ =	shalt  }
0x7f: {  	_ =	shalt  }
0x80: {  	_ =	shalt  }
0x81: {  	_ =	shalt  }
0x82: {  	_ =	shalt  }
0x83: {  	_ =	shalt  }
0x84: {  	_ =	shalt  }
0x85: {  	_ =	shalt  }
0x86: {  	_ =	shalt  }
0x87: {  	_ =	shalt  }
.Lfunc_end0:
.L_simem_size_0:
called_computation_lowered:
.L_overlay_start_0:
0x88: {  	s2 =	sld [smem:$0x3FD9]  }
0x89: {  	s3 =	sld [smem:$0x3FFE];
	_ =	sdelay $0x1  }
0x8a: {  	s1 =	srdreg.scid  }
0x8b: {  	s0 =	sand.u32 $0x1, s1  }
0x8c: {  	s17 =	sshll.u32 s0, $0xA;
	s2 =	sadd.s32 s3, s2  }
0x8d: {  	s2 =	sadd.s32 s2, s17  }
0x8e: {  	[smem:$0x3FC6] =	sst s2  }
0x8f: {  	_ = 	snop  }
0x90: {  	s2 =	sld [smem:$0x3FD0];
	(tm) =	ssettm $0x1  }
0x91: {  	s18 =	sld [smem:$0x3FFB];
	_ =	sdelay $0x3  }
0x92: {  	_ =	strace s18  }
0x93: {  	s3 =	sld [smem:$0x3FFC];
	_ =	sdelay $0x3  }
0x94: {  	_ =	strace s3  }
0x95: {  	s3 =	sld [smem:$0x3FFD];
	_ =	sdelay $0x3  }
0x96: {  	_ =	strace s3  }
0x97: {  	_ =	strace $0x8FFFFFFF  }
0x98: {  	s19 =	sld [smem:$0x3FDB];
	_ =	sdelay $0x1  }
0x99: {  	s4 =	simm.s32 $_scs_section_size  }
0x9a: {  	s5 =	simm.s32 $_size__tile_overlayer_lowered;
	s6 =	simm.s32 $_tile_overlayer_lowered  }
0x9b: {  	s22 =	simm.s32 $0x1BFF;
	s21 =	sshll.u32 s6, $0x1;
	s3 =	sadd.s32 s4, s19  }
0x9c: {  	s7 =	simm.s32 $0x0;
	s20 =	sshll.u32 s5, $0x1;
	s5 =	sadd.s32 s21, s3  }
0x9d: {  	[timem:s7], [sflag:s22] =	dma.local [hbm:s5], s20  }
0x9e: {  	_ =	swait.ge [sflag:s22], s20  }
0x9f: {  	s4 =	ssub.s32 $0x0, s20;
	[sflag:s22] =	ssyncset.done $0x0  }
0xa0: {  	[sflag:s22] =	ssyncadd.s32 s4;
	_ =	sdelay $0x1  }
0xa1: {  	s23 =	simm.s32 $0x1B8B  }
0xa2: {  	_ =	swait.ge [sflag:s23], $0x1  }
0xa3: {  	[sflag:s23] =	ssyncset.done $0x0  }
0xa4: {  	s25 =	simm.s32 $0x1B8E;
	s24 =	sld [smem:$0x3FFE];
	[sflag:s23] =	ssyncadd.s32 $0xFFFFFFFF  }
0xa5: {  	s26 =	simm.s32 $execute0_lowered;
	[smem:$0x3FD2] =	sst s25  }
0xa6: {  	s5 =	sshll.u32 s26, $0x1;
	_ =	strace $0x80000046;
	[dreg:$0x1] =	wrdreg $0xFFFFFFFF  }
0xa7: {  	s28 =	simm.s32 $_size_execute0_lowered;
	s3 =	sadd.s32 s3, s5;
	[dreg:$0x0] =	wrdreg $0x0  }
0xa8: {  	s5 =	sshll.u32 s28, $0x1;
	[dreg:$0x2] =	wrdreg s3  }
0xa9: {  	[dreg:$0x3] =	wrdreg s5  }
0xaa: {  	[dreg:$0x4] =	wrdreg $0xC0  }
0xab: {  	_ =	task [dreg:s7], $0x5FFFF  }
0xac: {  	[dreg:$0x1] =	wrdreg $0xFFFFFFFF  }
0xad: {  	[dreg:$0x0] =	wrdreg $0x60  }
0xae: {  	[dreg:$0x2] =	wrdreg s24  }
0xaf: {  	[dreg:$0x3] =	wrdreg s2  }
0xb0: {  	[dreg:$0x4] =	wrdreg $0x50000  }
0xb1: {  	[dreg:$0x5] =	wrdreg $0x9  }
0xb2: {  	_ =	task.clear_ibuf [dreg:s7], $0x6FFFF;
	_ =	strace $0x90000046  }
0xb3: {  	s29 =	simm.s32 $0x9;
	_ =	strace $0x80000048  }
0xb4: {  	_ =	swait.ge [sflag:s29], $0x1  }
0xb5: {  	[sflag:s29] =	ssyncadd.s32 $0xFFFFFFFF  }
0xb6: {  	_ =	strace $0x90000048  }
0xb7: {  	_ =	sfence  }
0xb8: {  	s30 =	sld [smem:$0x0];
	_ =	sdelay $0x2  }
0xb9: {  	s31 =	sshll.u32 s1, $0xD;
	s1 =	sshrl.u32 s1, $0x2  }
0xba: {  	s3 =	sand.u32 $0x4000, s31;
	s1 =	sadd.s32 s1, s30  }
0xbb: {  	s0 =	sor.u32 s3, s0;
	s1 =	sshll.u32 s1, $0x11  }
0xbc: {  	s0 =	sor.u32 s1, s0  }
0xbd: {  	s0 =	sadd.s32 $0x8F2B, s0  }
0xbe: {  	[sflag:s0] =	ssyncadd.remote.s32 $0x1  }
0xbf: {  	_ =	sfence.sel $0xFFFF  }
0xc0: {  	[dreg:$0x0] =	wrdreg $0xFFFFFFFF;
	(pc) =	sbr.abs _section_cstart, $3  }
0xc1: {  	[dreg:$0x1] =	wrdreg $0xFFFFFFFF  }
0xc2: {  	_ =	task.clear_ibuf [dreg:s7], $0x2FFFF;
	_ =	strace $0x9FFFFFFF  }
0xc3: {  	(tm) =	ssettm $0x7FFFFFFF  }
tec
execute0_lowered:
.L_overlay_start_1:
0x0: {  	(tag) =	ssettag $0x1  }
0x1: {  	s0 =	rddreg [dreg:$0x0]  }
0x2: {  	s1 =	rddreg [dreg:$0x1]  }
0x3: {  	s2 =	rddreg [dreg:$0x2]  }
0x4: {  	s14 =	rddreg [dreg:$0x3];
	s17 =	srdreg.scid;
	s3 =	simm.s32 $0x0  }
0x5: {  	s10 =	stileid.u32;
	p0 =	por $0x0, $0x0;
	[dreg:$0x4] =	wrdreg s1  }
0x6: {  	s1 =	sand.u32 $0x1, s17;
	[smem:$0x7FF] =	sst s3;
	s4 =	smul.u32 $0x3200, s10  }
0x7: {  	s7 =	sadd.s32 $0x200, s0;
	s18 =	smul.u32 $0x6400, s10;
	s8 =	sadd.s32 $0x31000, s0  }
0x8: {  	s5 =	sshll.u32 s1, $0x4;
	_ =	strace $0x80000047;
	s6 =	sshll.u32 s1, $0x7  }
0x9: {  	s1 =	ssub.s32 $0x2, s1;
	s5 =	sor.u32 s10, s5;
	s4 =	sor.u32 s6, s4  }
0xa: {  	s19 =	sshrl.u32 s1, $0x1;
	s20 =	sshrl.u32 s18, $0x2;
	s10 =	sshll.u32 s10, $0x6  }
0xb: {  	s5 =	smul.u32 $0xC350, s5;
	s4 =	sshrl.u32 s4, $0x3;
	s1 =	ssub.s32 s1, s19  }
0xc: {  	s11 =	sadd.s32 s20, s2;
	s0 =	sadd.s32 s4, s0;
	s4 =	sor.u32 $0x1C07, s10  }
0xd: {  	s6 =	sshrl.u32 s5, $0x3;
	s9 =	sadd.s32 $0x1388, s5;
	s12 =	sadd.s32 $0x3A98, s5  }
0xe: {  	s17 =	sadd.s32 $0x61A8, s5;
	s20 =	sadd.s32 $0x88B8, s5;
	s5 =	sadd.s32 $0xAFC8, s5  }
0xf: {  	s21 =	sadd.s32 s7, s6;
	s22 =	sadd.s32 s8, s6;
	s9 =	sshrl.u32 s9, $0x3  }
0x10: {  	s25 =	sadd.s32 $0x4E2, s6;
	s12 =	sshrl.u32 s12, $0x3;
	s15 =	sadd.s32 $0x9C4, s6  }
0x11: {  	s18 =	sshrl.u32 s17, $0x3;
	s19 =	sadd.s32 $0xEA6, s6;
	s6 =	sadd.s32 $0x1388, s6  }
0x12: {  	s5 =	sshrl.u32 s5, $0x3;
	s17 =	simm.s32 $0x2800;
	[dreg:$0x5] =	wrdreg s21  }
0x13: {  	[dreg:$0x6] =	wrdreg s22;
	s23 =	sadd.s32 s7, s9;
	s24 =	sadd.s32 s8, s9  }
0x14: {  	s26 =	sadd.s32 s7, s25;
	s22 =	smax.u32 s1, $0x1;
	s1 =	rddreg [dreg:$0x4]  }
0x15: {  	s9 =	sadd.s32 s8, s25;
	s10 =	sadd.s32 s7, s12;
	[dreg:$0x7] =	wrdreg s23  }
0x16: {  	s13 =	sadd.s32 s8, s12;
	s16 =	sadd.s32 s7, s15;
	[dreg:$0x8] =	wrdreg s24  }
0x17: {  	s31 =	sadd.s32 s8, s15;
	s29 =	sadd.s32 s7, s18;
	[dreg:$0x9] =	wrdreg s26  }
0x18: {  	s30 =	sadd.s32 s8, s18;
	s21 =	sshrl.u32 s20, $0x3;
	[dreg:$0xa] =	wrdreg s9  }
0x19: {  	s28 =	sadd.s32 s8, s19;
	s20 =	sadd.s32 s7, s6;
	[dreg:$0xb] =	wrdreg s10  }
0x1a: {  	s12 =	simm.s32 $0x3C00;
	s18 =	simm.s32 $0x5;
	[dreg:$0xc] =	wrdreg s13  }
0x1b: {  	s15 =	simm.s32 $0x6;
	[dreg:$0xd] =	wrdreg s16;
	s26 =	sadd.s32 s7, s19  }
0x1c: {  	s24 =	sadd.s32 s7, s21;
	s25 =	sadd.s32 s8, s21;
	p1 =	sne.s32 s22, $0x1  }
.Ltmp0:
0x1d: {  	s21 =	sadd.s32 s8, s6;
	s9 =	sadd.s32 s7, s5;
	(pc) =	sbr.rel @!p1 .LBB2_1-.Ltmp0, $4  }
0x1e: {  	s10 =	sadd.s32 s8, s5;
	s5 =	sadd.s32 $0x61E00, s0;
	s7 =	sshrl.u32 s11, $0x3  }
0x1f: {  	s6 =	simm.s32 $0x7;
	s8 =	simm.s32 $0x1;
	s23 =	simm.s32 $0x3  }
0x20: {  	s11 =	simm.s32 $0x1400;
	s13 =	simm.s32 $0x1388;
	s0 =	sadd.s32 $0xFFFFFFFF, s22  }
0x21: {  	s22 =	simm.s32 $0x2;
	s19 =	simm.s32 $0x4;
	s16 =	simm.s32 $0x10  }
0x22: {  	[spmem:s7], [sflag:s4] =	dma.local [hbm:s1], $0x320  }
0x23: {  	_ =	swait.ge [sflag:s6], $0x320  }
0x24: {  	[sflag:s6] =	ssyncset.done $0x0  }
0x25: {  	[sflag:s6] =	ssyncadd.s32 $0xFFFFFCE0  }
0x26: {  	[bflag:$0x0] =	sbarrier.arrive $0xFFFF  }
0x27: {  	s1 =	rddreg [dreg:$0x5]  }
0x28: {  	[tilespmem:s3], [sflag:$0x1] =	stream.linear.gather [hbm4b:s1+s3], $0x1388, $0x38;
	[tilespmem:$0x6900] =	vst v63  }
0x29: {  	s14 =	smov.u32 s0;
	s0 =	rddreg [dreg:$0x6]  }
0x2a: {  	[tilespmem:s17], [sflag:$0x3] =	stream.linear.gather [hbm4b:s0+s3], $0x1388, $0x38;
	[tilespmem:$0x6900] =	vst v63  }
0x2b: {  	_ =	swait.ge [sflag:s8], $0x1388  }
0x2c: {  	[sflag:s8] =	ssyncset.done $0x0  }
0x2d: {  	[sflag:s8] =	ssyncadd.s32 $0xFFFFEC78  }
0x2e: {  	_ =	swait.ge [sflag:s23], $0x1388  }
0x2f: {  	[sflag:s23] =	ssyncset.done $0x0  }
0x30: {  	s0 =	rddreg [dreg:$0x7];
	[sflag:s23] =	ssyncadd.s32 $0xFFFFEC78  }
0x31: {  	[tilespmem:s11], [sflag:$0x2] =	stream.linear.gather [hbm4b:s0+s3], $0x1388, $0x38;
	[tilespmem:$0x6900] =	vst v63  }
0x32: {  	s1 =	rddreg [dreg:$0x8]  }
0x33: {  	[tilespmem:s12], [sflag:$0x4] =	stream.linear.gather [hbm4b:s1+s3], $0x1388, $0x38;
	[tilespmem:$0x6900] =	vst v63  }
0x34: {  	_ = 	snop  }
0x35: {  	[spmem:s2] =	stream.indirect.scatter.add.f32 [tilespmem:s17], [sflag:$0x5], $0x1, s3, s13, $0xb8;
	[tilespmem:$0x6900] =	vst v63  }
0x36: {  	_ =	swait.ge [sflag:s22], $0x1388  }
0x37: {  	[sflag:s22] =	ssyncset.done $0x0  }
0x38: {  	[sflag:s22] =	ssyncadd.s32 $0xFFFFEC78  }
0x39: {  	_ =	swait.ge [sflag:s19], $0x1388  }
0x3a: {  	[sflag:s19] =	ssyncset.done $0x0  }
0x3b: {  	[sflag:s19] =	ssyncadd.s32 $0xFFFFEC78  }
0x3c: {  	_ =	swait.ge [sflag:s18], $0x1388  }
0x3d: {  	[sflag:s18] =	ssyncset.done $0x0  }
0x3e: {  	s0 =	rddreg [dreg:$0x9];
	[sflag:s18] =	ssyncadd.s32 $0xFFFFEC78  }
0x3f: {  	[tilespmem:s3], [sflag:$0x1] =	stream.linear.gather [hbm4b:s0+s3], $0x1388, $0x38;
	[tilespmem:$0x6900] =	vst v63  }
0x40: {  	s1 =	rddreg [dreg:$0xa]  }
0x41: {  	[tilespmem:s17], [sflag:$0x3] =	stream.linear.gather [hbm4b:s1+s3], $0x1388, $0x38;
	[tilespmem:$0x6900] =	vst v63  }
0x42: {  	_ = 	snop  }
0x43: {  	[spmem:s2] =	stream.indirect.scatter.add.f32 [tilespmem:s12], [sflag:$0x6], $0x1, s11, s13, $0xb8;
	[tilespmem:$0x6900] =	vst v63  }
0x44: {  	_ =	swait.ge [sflag:s8], $0x1388  }
0x45: {  	[sflag:s8] =	ssyncset.done $0x0  }
0x46: {  	[sflag:s8] =	ssyncadd.s32 $0xFFFFEC78  }
0x47: {  	_ =	swait.ge [sflag:s23], $0x1388  }
0x48: {  	[sflag:s23] =	ssyncset.done $0x0  }
0x49: {  	[sflag:s23] =	ssyncadd.s32 $0xFFFFEC78  }
0x4a: {  	_ =	swait.ge [sflag:s15], $0x1388  }
0x4b: {  	[sflag:s15] =	ssyncset.done $0x0  }
0x4c: {  	s0 =	rddreg [dreg:$0xb];
	[sflag:s15] =	ssyncadd.s32 $0xFFFFEC78  }
0x4d: {  	[tilespmem:s11], [sflag:$0x2] =	stream.linear.gather [hbm4b:s0+s3], $0x1388, $0x38;
	[tilespmem:$0x6900] =	vst v63  }
0x4e: {  	s1 =	rddreg [dreg:$0xc]  }
0x4f: {  	[tilespmem:s12], [sflag:$0x4] =	stream.linear.gather [hbm4b:s1+s3], $0x1388, $0x38;
	[tilespmem:$0x6900] =	vst v63  }
0x50: {  	_ = 	snop  }
0x51: {  	[spmem:s2] =	stream.indirect.scatter.add.f32 [tilespmem:s17], [sflag:$0x5], $0x1, s3, s13, $0xb8;
	[tilespmem:$0x6900] =	vst v63  }
0x52: {  	_ =	swait.ge [sflag:s22], $0x1388  }
0x53: {  	[sflag:s22] =	ssyncset.done $0x0  }
0x54: {  	[sflag:s22] =	ssyncadd.s32 $0xFFFFEC78  }
0x55: {  	_ =	swait.ge [sflag:s19], $0x1388  }
0x56: {  	[sflag:s19] =	ssyncset.done $0x0  }
0x57: {  	[sflag:s19] =	ssyncadd.s32 $0xFFFFEC78  }
0x58: {  	_ =	swait.ge [sflag:s18], $0x1388  }
0x59: {  	[sflag:s18] =	ssyncset.done $0x0  }
0x5a: {  	s1 =	rddreg [dreg:$0xd];
	[sflag:s18] =	ssyncadd.s32 $0xFFFFEC78  }
0x5b: {  	[tilespmem:s3], [sflag:$0x1] =	stream.linear.gather [hbm4b:s1+s3], $0x1388, $0x38;
	[tilespmem:$0x6900] =	vst v63  }
0x5c: {  	_ = 	snop  }
0x5d: {  	[tilespmem:s17], [sflag:$0x3] =	stream.linear.gather [hbm4b:s31+s3], $0x1388, $0x38;
	[tilespmem:$0x6900] =	vst v63  }
0x5e: {  	_ = 	snop  }
0x5f: {  	[spmem:s2] =	stream.indirect.scatter.add.f32 [tilespmem:s12], [sflag:$0x6], $0x1, s11, s13, $0xb8;
	[tilespmem:$0x6900] =	vst v63  }
0x60: {  	_ =	swait.ge [sflag:s8], $0x1388  }
0x61: {  	[sflag:s8] =	ssyncset.done $0x0  }
0x62: {  	[sflag:s8] =	ssyncadd.s32 $0xFFFFEC78  }
0x63: {  	_ =	swait.ge [sflag:s23], $0x1388  }
0x64: {  	[sflag:s23] =	ssyncset.done $0x0  }
0x65: {  	[sflag:s23] =	ssyncadd.s32 $0xFFFFEC78  }
0x66: {  	_ =	swait.ge [sflag:s15], $0x1388  }
0x67: {  	[sflag:s15] =	ssyncset.done $0x0  }
0x68: {  	[sflag:s15] =	ssyncadd.s32 $0xFFFFEC78  }
0x69: {  	[tilespmem:s11], [sflag:$0x2] =	stream.linear.gather [hbm4b:s29+s3], $0x1388, $0x38;
	[tilespmem:$0x6900] =	vst v63  }
0x6a: {  	_ = 	snop  }
0x6b: {  	[tilespmem:s12], [sflag:$0x4] =	stream.linear.gather [hbm4b:s30+s3], $0x1388, $0x38;
	[tilespmem:$0x6900] =	vst v63  }
0x6c: {  	_ = 	snop  }
0x6d: {  	[spmem:s2] =	stream.indirect.scatter.add.f32 [tilespmem:s17], [sflag:$0x5], $0x1, s3, s13, $0xb8;
	[tilespmem:$0x6900] =	vst v63  }
0x6e: {  	_ =	swait.ge [sflag:s22], $0x1388  }
0x6f: {  	[sflag:s22] =	ssyncset.done $0x0  }
0x70: {  	[sflag:s22] =	ssyncadd.s32 $0xFFFFEC78  }
0x71: {  	_ =	swait.ge [sflag:s19], $0x1388  }
0x72: {  	[sflag:s19] =	ssyncset.done $0x0  }
0x73: {  	[sflag:s19] =	ssyncadd.s32 $0xFFFFEC78  }
0x74: {  	_ =	swait.ge [sflag:s18], $0x1388  }
0x75: {  	[sflag:s18] =	ssyncset.done $0x0  }
0x76: {  	[sflag:s18] =	ssyncadd.s32 $0xFFFFEC78  }
0x77: {  	[tilespmem:s3], [sflag:$0x1] =	stream.linear.gather [hbm4b:s26+s3], $0x1388, $0x38;
	[tilespmem:$0x6900] =	vst v63  }
0x78: {  	_ = 	snop  }
0x79: {  	[tilespmem:s17], [sflag:$0x3] =	stream.linear.gather [hbm4b:s28+s3], $0x1388, $0x38;
	[tilespmem:$0x6900] =	vst v63  }
0x7a: {  	_ = 	snop  }
0x7b: {  	[spmem:s2] =	stream.indirect.scatter.add.f32 [tilespmem:s12], [sflag:$0x6], $0x1, s11, s13, $0xb8;
	[tilespmem:$0x6900] =	vst v63  }
0x7c: {  	_ =	swait.ge [sflag:s8], $0x1388  }
0x7d: {  	[sflag:s8] =	ssyncset.done $0x0  }
0x7e: {  	[sflag:s8] =	ssyncadd.s32 $0xFFFFEC78  }
0x7f: {  	_ =	swait.ge [sflag:s23], $0x1388  }
0x80: {  	[sflag:s23] =	ssyncset.done $0x0  }
0x81: {  	[sflag:s23] =	ssyncadd.s32 $0xFFFFEC78  }
0x82: {  	_ =	swait.ge [sflag:s15], $0x1388  }
0x83: {  	[sflag:s15] =	ssyncset.done $0x0  }
0x84: {  	[sflag:s15] =	ssyncadd.s32 $0xFFFFEC78  }
0x85: {  	[tilespmem:s11], [sflag:$0x2] =	stream.linear.gather [hbm4b:s24+s3], $0x1388, $0x38;
	[tilespmem:$0x6900] =	vst v63  }
0x86: {  	_ = 	snop  }
0x87: {  	[tilespmem:s12], [sflag:$0x4] =	stream.linear.gather [hbm4b:s25+s3], $0x1388, $0x38;
	[tilespmem:$0x6900] =	vst v63  }
0x88: {  	_ = 	snop  }
0x89: {  	[spmem:s2] =	stream.indirect.scatter.add.f32 [tilespmem:s17], [sflag:$0x5], $0x1, s3, s13, $0xb8;
	[tilespmem:$0x6900] =	vst v63  }
0x8a: {  	_ =	swait.ge [sflag:s22], $0x1388  }
0x8b: {  	[sflag:s22] =	ssyncset.done $0x0  }
0x8c: {  	[sflag:s22] =	ssyncadd.s32 $0xFFFFEC78  }
0x8d: {  	_ =	swait.ge [sflag:s19], $0x1388  }
0x8e: {  	[sflag:s19] =	ssyncset.done $0x0  }
0x8f: {  	[sflag:s19] =	ssyncadd.s32 $0xFFFFEC78  }
0x90: {  	_ =	swait.ge [sflag:s18], $0x1388  }
0x91: {  	[sflag:s18] =	ssyncset.done $0x0  }
0x92: {  	[sflag:s18] =	ssyncadd.s32 $0xFFFFEC78  }
0x93: {  	[tilespmem:s3], [sflag:$0x1] =	stream.linear.gather [hbm4b:s20+s3], $0x1388, $0x38;
	[tilespmem:$0x6900] =	vst v63  }
0x94: {  	_ = 	snop  }
0x95: {  	[tilespmem:s17], [sflag:$0x3] =	stream.linear.gather [hbm4b:s21+s3], $0x1388, $0x38;
	[tilespmem:$0x6900] =	vst v63  }
0x96: {  	_ = 	snop  }
0x97: {  	[spmem:s2] =	stream.indirect.scatter.add.f32 [tilespmem:s12], [sflag:$0x6], $0x1, s11, s13, $0xb8;
	[tilespmem:$0x6900] =	vst v63  }
0x98: {  	_ =	swait.ge [sflag:s8], $0x1388  }
0x99: {  	[sflag:s8] =	ssyncset.done $0x0  }
0x9a: {  	[sflag:s8] =	ssyncadd.s32 $0xFFFFEC78  }
0x9b: {  	_ =	swait.ge [sflag:s23], $0x1388  }
0x9c: {  	[sflag:s23] =	ssyncset.done $0x0  }
0x9d: {  	[sflag:s23] =	ssyncadd.s32 $0xFFFFEC78  }
0x9e: {  	_ =	swait.ge [sflag:s15], $0x1388  }
0x9f: {  	[sflag:s15] =	ssyncset.done $0x0  }
0xa0: {  	[sflag:s15] =	ssyncadd.s32 $0xFFFFEC78  }
0xa1: {  	[tilespmem:s11], [sflag:$0x2] =	stream.linear.gather [hbm4b:s9+s3], $0x1388, $0x38;
	[tilespmem:$0x6900] =	vst v63  }
0xa2: {  	_ = 	snop  }
0xa3: {  	[tilespmem:s12], [sflag:$0x4] =	stream.linear.gather [hbm4b:s10+s3], $0x1388, $0x38;
	[tilespmem:$0x6900] =	vst v63  }
0xa4: {  	_ = 	snop  }
0xa5: {  	[spmem:s2] =	stream.indirect.scatter.add.f32 [tilespmem:s17], [sflag:$0x5], $0x1, s3, s13, $0xb8;
	[tilespmem:$0x6900] =	vst v63  }
0xa6: {  	_ =	swait.ge [sflag:s22], $0x1388  }
0xa7: {  	[sflag:s22] =	ssyncset.done $0x0  }
0xa8: {  	[sflag:s22] =	ssyncadd.s32 $0xFFFFEC78  }
0xa9: {  	_ =	swait.ge [sflag:s19], $0x1388  }
0xaa: {  	[sflag:s19] =	ssyncset.done $0x0  }
0xab: {  	[sflag:s19] =	ssyncadd.s32 $0xFFFFEC78  }
0xac: {  	[spmem:s2] =	stream.indirect.scatter.add.f32 [tilespmem:s12], [sflag:$0x6], $0x1, s11, s13, $0xb8;
	[tilespmem:$0x6900] =	vst v63  }
0xad: {  	_ =	swait.ge [sflag:s18], $0x1388  }
0xae: {  	[sflag:s18] =	ssyncset.done $0x0  }
0xaf: {  	[sflag:s18] =	ssyncadd.s32 $0xFFFFEC78  }
0xb0: {  	_ =	swait.ge [sflag:s15], $0x1388  }
0xb1: {  	p1 =	sne.s32 s14, $0x1;
	[sflag:s15] =	ssyncset.done $0x0  }
.Ltmp1:
0xb2: {  	[sflag:s15] =	ssyncadd.s32 $0xFFFFEC78;
	(pc) =	sbr.rel @!p1 .LBB2_3-.Ltmp1, $4  }
0xb3: {  	s1 =	simm.s32 $0x20;
	[bflag:$0x0] =	sbarrier.arrive $0xFFFF  }
0xb4: {  	[hbm:s5@s1], [sflag:s4] =	dma.strided [spmem:s7@s16], $0x320, s8, $0x10   }
0xb5: {  	p0 =	por $0x1, $0x1;
	_ =	swait.ge [sflag:s6], $0x320  }
0xb6: {  	s0 =	sadd.s32 $0xFFFFFFFF, s14;
	s1 =	rddreg [dreg:$0x4];
	[sflag:s6] =	ssyncset.done $0x0  }
.LBB2_4:
0xb7: {  	[sflag:s6] =	ssyncadd.s32 $0xFFFFFCE0  }
0xb8: {  	[spmem:s7], [sflag:s4] =	dma.local [hbm:s1], $0x320  }
0xb9: {  	_ =	swait.ge [sflag:s6], $0x320  }
0xba: {  	[sflag:s6] =	ssyncset.done $0x0  }
0xbb: {  	[sflag:s6] =	ssyncadd.s32 $0xFFFFFCE0  }
0xbc: {  	[bflag:$0x0] =	sbarrier.arrive $0xFFFF  }
0xbd: {  	s1 =	rddreg [dreg:$0x5]  }
0xbe: {  	[tilespmem:s3], [sflag:$0x1] =	stream.linear.gather [hbm4b:s1+s3], $0x1388, $0x38;
	[tilespmem:$0x6900] =	vst v63  }
0xbf: {  	s14 =	rddreg [dreg:$0x6]  }
0xc0: {  	[tilespmem:s17], [sflag:$0x3] =	stream.linear.gather [hbm4b:s14+s3], $0x1388, $0x38;
	[tilespmem:$0x6900] =	vst v63  }
0xc1: {  	_ =	swait.ge [sflag:s8], $0x1388  }
0xc2: {  	[sflag:s8] =	ssyncset.done $0x0  }
0xc3: {  	[sflag:s8] =	ssyncadd.s32 $0xFFFFEC78  }
0xc4: {  	_ =	swait.ge [sflag:s23], $0x1388  }
0xc5: {  	[sflag:s23] =	ssyncset.done $0x0  }
0xc6: {  	s1 =	rddreg [dreg:$0x7];
	[sflag:s23] =	ssyncadd.s32 $0xFFFFEC78  }
0xc7: {  	[tilespmem:s11], [sflag:$0x2] =	stream.linear.gather [hbm4b:s1+s3], $0x1388, $0x38;
	[tilespmem:$0x6900] =	vst v63  }
0xc8: {  	s14 =	rddreg [dreg:$0x8]  }
0xc9: {  	[tilespmem:s12], [sflag:$0x4] =	stream.linear.gather [hbm4b:s14+s3], $0x1388, $0x38;
	[tilespmem:$0x6900] =	vst v63  }
0xca: {  	_ = 	snop  }
0xcb: {  	[spmem:s2] =	stream.indirect.scatter.add.f32 [tilespmem:s17], [sflag:$0x5], $0x1, s3, s13, $0xb8;
	[tilespmem:$0x6900] =	vst v63  }
0xcc: {  	_ =	swait.ge [sflag:s22], $0x1388  }
0xcd: {  	[sflag:s22] =	ssyncset.done $0x0  }
0xce: {  	[sflag:s22] =	ssyncadd.s32 $0xFFFFEC78  }
0xcf: {  	_ =	swait.ge [sflag:s19], $0x1388  }
0xd0: {  	[sflag:s19] =	ssyncset.done $0x0  }
0xd1: {  	[sflag:s19] =	ssyncadd.s32 $0xFFFFEC78  }
0xd2: {  	_ =	swait.ge [sflag:s18], $0x1388  }
0xd3: {  	[sflag:s18] =	ssyncset.done $0x0  }
0xd4: {  	s1 =	rddreg [dreg:$0x9];
	[sflag:s18] =	ssyncadd.s32 $0xFFFFEC78  }
0xd5: {  	[tilespmem:s3], [sflag:$0x1] =	stream.linear.gather [hbm4b:s1+s3], $0x1388, $0x38;
	[tilespmem:$0x6900] =	vst v63  }
0xd6: {  	s14 =	rddreg [dreg:$0xa]  }
0xd7: {  	[tilespmem:s17], [sflag:$0x3] =	stream.linear.gather [hbm4b:s14+s3], $0x1388, $0x38;
	[tilespmem:$0x6900] =	vst v63  }
0xd8: {  	_ = 	snop  }
0xd9: {  	[spmem:s2] =	stream.indirect.scatter.add.f32 [tilespmem:s12], [sflag:$0x6], $0x1, s11, s13, $0xb8;
	[tilespmem:$0x6900] =	vst v63  }
0xda: {  	_ =	swait.ge [sflag:s8], $0x1388  }
0xdb: {  	[sflag:s8] =	ssyncset.done $0x0  }
0xdc: {  	[sflag:s8] =	ssyncadd.s32 $0xFFFFEC78  }
0xdd: {  	_ =	swait.ge [sflag:s23], $0x1388  }
0xde: {  	[sflag:s23] =	ssyncset.done $0x0  }
0xdf: {  	[sflag:s23] =	ssyncadd.s32 $0xFFFFEC78  }
0xe0: {  	_ =	swait.ge [sflag:s15], $0x1388  }
0xe1: {  	[sflag:s15] =	ssyncset.done $0x0  }
0xe2: {  	s1 =	rddreg [dreg:$0xb];
	[sflag:s15] =	ssyncadd.s32 $0xFFFFEC78  }
0xe3: {  	[tilespmem:s11], [sflag:$0x2] =	stream.linear.gather [hbm4b:s1+s3], $0x1388, $0x38;
	[tilespmem:$0x6900] =	vst v63  }
0xe4: {  	s14 =	rddreg [dreg:$0xc]  }
0xe5: {  	[tilespmem:s12], [sflag:$0x4] =	stream.linear.gather [hbm4b:s14+s3], $0x1388, $0x38;
	[tilespmem:$0x6900] =	vst v63  }
0xe6: {  	_ = 	snop  }
0xe7: {  	[spmem:s2] =	stream.indirect.scatter.add.f32 [tilespmem:s17], [sflag:$0x5], $0x1, s3, s13, $0xb8;
	[tilespmem:$0x6900] =	vst v63  }
0xe8: {  	_ =	swait.ge [sflag:s22], $0x1388  }
0xe9: {  	[sflag:s22] =	ssyncset.done $0x0  }
0xea: {  	[sflag:s22] =	ssyncadd.s32 $0xFFFFEC78  }
0xeb: {  	_ =	swait.ge [sflag:s19], $0x1388  }
0xec: {  	[sflag:s19] =	ssyncset.done $0x0  }
0xed: {  	[sflag:s19] =	ssyncadd.s32 $0xFFFFEC78  }
0xee: {  	_ =	swait.ge [sflag:s18], $0x1388  }
0xef: {  	[sflag:s18] =	ssyncset.done $0x0  }
0xf0: {  	s14 =	rddreg [dreg:$0xd];
	[sflag:s18] =	ssyncadd.s32 $0xFFFFEC78  }
0xf1: {  	[tilespmem:s3], [sflag:$0x1] =	stream.linear.gather [hbm4b:s14+s3], $0x1388, $0x38;
	[tilespmem:$0x6900] =	vst v63  }
0xf2: {  	_ = 	snop  }
0xf3: {  	[tilespmem:s17], [sflag:$0x3] =	stream.linear.gather [hbm4b:s31+s3], $0x1388, $0x38;
	[tilespmem:$0x6900] =	vst v63  }
0xf4: {  	_ = 	snop  }
0xf5: {  	[spmem:s2] =	stream.indirect.scatter.add.f32 [tilespmem:s12], [sflag:$0x6], $0x1, s11, s13, $0xb8;
	[tilespmem:$0x6900] =	vst v63  }
0xf6: {  	_ =	swait.ge [sflag:s8], $0x1388  }
0xf7: {  	[sflag:s8] =	ssyncset.done $0x0  }
0xf8: {  	[sflag:s8] =	ssyncadd.s32 $0xFFFFEC78  }
0xf9: {  	_ =	swait.ge [sflag:s23], $0x1388  }
0xfa: {  	[sflag:s23] =	ssyncset.done $0x0  }
0xfb: {  	[sflag:s23] =	ssyncadd.s32 $0xFFFFEC78  }
0xfc: {  	_ =	swait.ge [sflag:s15], $0x1388  }
0xfd: {  	[sflag:s15] =	ssyncset.done $0x0  }
0xfe: {  	[sflag:s15] =	ssyncadd.s32 $0xFFFFEC78  }
0xff: {  	[tilespmem:s11], [sflag:$0x2] =	stream.linear.gather [hbm4b:s29+s3], $0x1388, $0x38;
	[tilespmem:$0x6900] =	vst v63  }
0x100: {  	_ = 	snop  }
0x101: {  	[tilespmem:s12], [sflag:$0x4] =	stream.linear.gather [hbm4b:s30+s3], $0x1388, $0x38;
	[tilespmem:$0x6900] =	vst v63  }
0x102: {  	_ = 	snop  }
0x103: {  	[spmem:s2] =	stream.indirect.scatter.add.f32 [tilespmem:s17], [sflag:$0x5], $0x1, s3, s13, $0xb8;
	[tilespmem:$0x6900] =	vst v63  }
0x104: {  	_ =	swait.ge [sflag:s22], $0x1388  }
0x105: {  	[sflag:s22] =	ssyncset.done $0x0  }
0x106: {  	[sflag:s22] =	ssyncadd.s32 $0xFFFFEC78  }
0x107: {  	_ =	swait.ge [sflag:s19], $0x1388  }
0x108: {  	[sflag:s19] =	ssyncset.done $0x0  }
0x109: {  	[sflag:s19] =	ssyncadd.s32 $0xFFFFEC78  }
0x10a: {  	_ =	swait.ge [sflag:s18], $0x1388  }
0x10b: {  	[sflag:s18] =	ssyncset.done $0x0  }
0x10c: {  	[sflag:s18] =	ssyncadd.s32 $0xFFFFEC78  }
0x10d: {  	[tilespmem:s3], [sflag:$0x1] =	stream.linear.gather [hbm4b:s26+s3], $0x1388, $0x38;
	[tilespmem:$0x6900] =	vst v63  }
0x10e: {  	_ = 	snop  }
0x10f: {  	[tilespmem:s17], [sflag:$0x3] =	stream.linear.gather [hbm4b:s28+s3], $0x1388, $0x38;
	[tilespmem:$0x6900] =	vst v63  }
0x110: {  	_ = 	snop  }
0x111: {  	[spmem:s2] =	stream.indirect.scatter.add.f32 [tilespmem:s12], [sflag:$0x6], $0x1, s11, s13, $0xb8;
	[tilespmem:$0x6900] =	vst v63  }
0x112: {  	_ =	swait.ge [sflag:s8], $0x1388  }
0x113: {  	[sflag:s8] =	ssyncset.done $0x0  }
0x114: {  	[sflag:s8] =	ssyncadd.s32 $0xFFFFEC78  }
0x115: {  	_ =	swait.ge [sflag:s23], $0x1388  }
0x116: {  	[sflag:s23] =	ssyncset.done $0x0  }
0x117: {  	[sflag:s23] =	ssyncadd.s32 $0xFFFFEC78  }
0x118: {  	_ =	swait.ge [sflag:s15], $0x1388  }
0x119: {  	[sflag:s15] =	ssyncset.done $0x0  }
0x11a: {  	[sflag:s15] =	ssyncadd.s32 $0xFFFFEC78  }
0x11b: {  	[tilespmem:s11], [sflag:$0x2] =	stream.linear.gather [hbm4b:s24+s3], $0x1388, $0x38;
	[tilespmem:$0x6900] =	vst v63  }
0x11c: {  	_ = 	snop  }
0x11d: {  	[tilespmem:s12], [sflag:$0x4] =	stream.linear.gather [hbm4b:s25+s3], $0x1388, $0x38;
	[tilespmem:$0x6900] =	vst v63  }
0x11e: {  	_ = 	snop  }
0x11f: {  	[spmem:s2] =	stream.indirect.scatter.add.f32 [tilespmem:s17], [sflag:$0x5], $0x1, s3, s13, $0xb8;
	[tilespmem:$0x6900] =	vst v63  }
0x120: {  	_ =	swait.ge [sflag:s22], $0x1388  }
0x121: {  	[sflag:s22] =	ssyncset.done $0x0  }
0x122: {  	[sflag:s22] =	ssyncadd.s32 $0xFFFFEC78  }
0x123: {  	_ =	swait.ge [sflag:s19], $0x1388  }
0x124: {  	[sflag:s19] =	ssyncset.done $0x0  }
0x125: {  	[sflag:s19] =	ssyncadd.s32 $0xFFFFEC78  }
0x126: {  	_ =	swait.ge [sflag:s18], $0x1388  }
0x127: {  	[sflag:s18] =	ssyncset.done $0x0  }
0x128: {  	[sflag:s18] =	ssyncadd.s32 $0xFFFFEC78  }
0x129: {  	[tilespmem:s3], [sflag:$0x1] =	stream.linear.gather [hbm4b:s20+s3], $0x1388, $0x38;
	[tilespmem:$0x6900] =	vst v63  }
0x12a: {  	_ = 	snop  }
0x12b: {  	[tilespmem:s17], [sflag:$0x3] =	stream.linear.gather [hbm4b:s21+s3], $0x1388, $0x38;
	[tilespmem:$0x6900] =	vst v63  }
0x12c: {  	_ = 	snop  }
0x12d: {  	[spmem:s2] =	stream.indirect.scatter.add.f32 [tilespmem:s12], [sflag:$0x6], $0x1, s11, s13, $0xb8;
	[tilespmem:$0x6900] =	vst v63  }
0x12e: {  	_ =	swait.ge [sflag:s8], $0x1388  }
0x12f: {  	[sflag:s8] =	ssyncset.done $0x0  }
0x130: {  	[sflag:s8] =	ssyncadd.s32 $0xFFFFEC78  }
0x131: {  	_ =	swait.ge [sflag:s23], $0x1388  }
0x132: {  	[sflag:s23] =	ssyncset.done $0x0  }
0x133: {  	[sflag:s23] =	ssyncadd.s32 $0xFFFFEC78  }
0x134: {  	_ =	swait.ge [sflag:s15], $0x1388  }
0x135: {  	[sflag:s15] =	ssyncset.done $0x0  }
0x136: {  	[sflag:s15] =	ssyncadd.s32 $0xFFFFEC78  }
0x137: {  	[tilespmem:s11], [sflag:$0x2] =	stream.linear.gather [hbm4b:s9+s3], $0x1388, $0x38;
	[tilespmem:$0x6900] =	vst v63  }
0x138: {  	_ = 	snop  }
0x139: {  	[tilespmem:s12], [sflag:$0x4] =	stream.linear.gather [hbm4b:s10+s3], $0x1388, $0x38;
	[tilespmem:$0x6900] =	vst v63  }
0x13a: {  	_ = 	snop  }
0x13b: {  	[spmem:s2] =	stream.indirect.scatter.add.f32 [tilespmem:s17], [sflag:$0x5], $0x1, s3, s13, $0xb8;
	[tilespmem:$0x6900] =	vst v63  }
0x13c: {  	_ =	swait.ge [sflag:s22], $0x1388  }
0x13d: {  	[sflag:s22] =	ssyncset.done $0x0  }
0x13e: {  	[sflag:s22] =	ssyncadd.s32 $0xFFFFEC78  }
0x13f: {  	_ =	swait.ge [sflag:s19], $0x1388  }
0x140: {  	[sflag:s19] =	ssyncset.done $0x0  }
0x141: {  	[sflag:s19] =	ssyncadd.s32 $0xFFFFEC78  }
0x142: {  	[spmem:s2] =	stream.indirect.scatter.add.f32 [tilespmem:s12], [sflag:$0x6], $0x1, s11, s13, $0xb8;
	[tilespmem:$0x6900] =	vst v63  }
0x143: {  	_ =	swait.ge [sflag:s18], $0x1388  }
0x144: {  	[sflag:s18] =	ssyncset.done $0x0  }
0x145: {  	[sflag:s18] =	ssyncadd.s32 $0xFFFFEC78  }
0x146: {  	_ =	swait.ge [sflag:s15], $0x1388  }
0x147: {  	p1 =	sne.s32 s0, $0x1;
	[sflag:s15] =	ssyncset.done $0x0  }
.Ltmp2:
0x148: {  	[sflag:s15] =	ssyncadd.s32 $0xFFFFEC78;
	(pc) =	sbr.rel @p1 .LBB2_4-.Ltmp2, $4  }
0x149: {  	s14 =	simm.s32 $0x20;
	[bflag:$0x0] =	sbarrier.arrive $0xFFFF  }
0x14a: {  	[hbm:s5@s14], [sflag:s4] =	dma.strided [spmem:s7@s16], $0x320, s8, $0x10   }
0x14b: {  	_ =	swait.ge [sflag:s6], $0x320  }
0x14c: {  	s0 =	sadd.s32 $0xFFFFFFFF, s0;
	s1 =	rddreg [dreg:$0x4];
	[sflag:s6] =	ssyncset.done $0x0  }
0x14d: {  	s16 =	simm.s32 $0x20;
	s14 =	rddreg [dreg:$0x3]  }
.LBB2_6:
0x14e: {  	[sflag:s6] =	ssyncadd.s32 @p0 $0xFFFFFCE0  }
0x14f: {  	[spmem:s7], [sflag:s4] =	dma.local [hbm:s1], $0x320  }
0x150: {  	_ =	swait.ge [sflag:s6], $0x320  }
0x151: {  	[sflag:s6] =	ssyncset.done $0x0  }
0x152: {  	[sflag:s6] =	ssyncadd.s32 $0xFFFFFCE0  }
0x153: {  	[bflag:$0x0] =	sbarrier.arrive $0xFFFF  }
0x154: {  	s0 =	rddreg [dreg:$0x5]  }
0x155: {  	[tilespmem:s3], [sflag:$0x1] =	stream.linear.gather [hbm4b:s0+s3], $0x1388, $0x38;
	[tilespmem:$0x6900] =	vst v63  }
0x156: {  	s1 =	rddreg [dreg:$0x6]  }
0x157: {  	[tilespmem:s17], [sflag:$0x3] =	stream.linear.gather [hbm4b:s1+s3], $0x1388, $0x38;
	[tilespmem:$0x6900] =	vst v63  }
0x158: {  	_ =	swait.ge [sflag:s8], $0x1388  }
0x159: {  	[sflag:s8] =	ssyncset.done $0x0  }
0x15a: {  	[sflag:s8] =	ssyncadd.s32 $0xFFFFEC78  }
0x15b: {  	_ =	swait.ge [sflag:s23], $0x1388  }
0x15c: {  	[sflag:s23] =	ssyncset.done $0x0  }
0x15d: {  	s0 =	rddreg [dreg:$0x7];
	[sflag:s23] =	ssyncadd.s32 $0xFFFFEC78  }
0x15e: {  	[tilespmem:s11], [sflag:$0x2] =	stream.linear.gather [hbm4b:s0+s3], $0x1388, $0x38;
	[tilespmem:$0x6900] =	vst v63  }
0x15f: {  	s1 =	rddreg [dreg:$0x8]  }
0x160: {  	[tilespmem:s12], [sflag:$0x4] =	stream.linear.gather [hbm4b:s1+s3], $0x1388, $0x38;
	[tilespmem:$0x6900] =	vst v63  }
0x161: {  	_ = 	snop  }
0x162: {  	[spmem:s2] =	stream.indirect.scatter.add.f32 [tilespmem:s17], [sflag:$0x5], $0x1, s3, s13, $0xb8;
	[tilespmem:$0x6900] =	vst v63  }
0x163: {  	_ =	swait.ge [sflag:s22], $0x1388  }
0x164: {  	[sflag:s22] =	ssyncset.done $0x0  }
0x165: {  	[sflag:s22] =	ssyncadd.s32 $0xFFFFEC78  }
0x166: {  	_ =	swait.ge [sflag:s19], $0x1388  }
0x167: {  	[sflag:s19] =	ssyncset.done $0x0  }
0x168: {  	[sflag:s19] =	ssyncadd.s32 $0xFFFFEC78  }
0x169: {  	_ =	swait.ge [sflag:s18], $0x1388  }
0x16a: {  	[sflag:s18] =	ssyncset.done $0x0  }
0x16b: {  	s0 =	rddreg [dreg:$0x9];
	[sflag:s18] =	ssyncadd.s32 $0xFFFFEC78  }
0x16c: {  	[tilespmem:s3], [sflag:$0x1] =	stream.linear.gather [hbm4b:s0+s3], $0x1388, $0x38;
	[tilespmem:$0x6900] =	vst v63  }
0x16d: {  	s1 =	rddreg [dreg:$0xa]  }
0x16e: {  	[tilespmem:s17], [sflag:$0x3] =	stream.linear.gather [hbm4b:s1+s3], $0x1388, $0x38;
	[tilespmem:$0x6900] =	vst v63  }
0x16f: {  	_ = 	snop  }
0x170: {  	[spmem:s2] =	stream.indirect.scatter.add.f32 [tilespmem:s12], [sflag:$0x6], $0x1, s11, s13, $0xb8;
	[tilespmem:$0x6900] =	vst v63  }
0x171: {  	_ =	swait.ge [sflag:s8], $0x1388  }
0x172: {  	[sflag:s8] =	ssyncset.done $0x0  }
0x173: {  	[sflag:s8] =	ssyncadd.s32 $0xFFFFEC78  }
0x174: {  	_ =	swait.ge [sflag:s23], $0x1388  }
0x175: {  	[sflag:s23] =	ssyncset.done $0x0  }
0x176: {  	[sflag:s23] =	ssyncadd.s32 $0xFFFFEC78  }
0x177: {  	_ =	swait.ge [sflag:s15], $0x1388  }
0x178: {  	[sflag:s15] =	ssyncset.done $0x0  }
0x179: {  	s0 =	rddreg [dreg:$0xb];
	[sflag:s15] =	ssyncadd.s32 $0xFFFFEC78  }
0x17a: {  	[tilespmem:s11], [sflag:$0x2] =	stream.linear.gather [hbm4b:s0+s3], $0x1388, $0x38;
	[tilespmem:$0x6900] =	vst v63  }
0x17b: {  	s1 =	rddreg [dreg:$0xc]  }
0x17c: {  	[tilespmem:s12], [sflag:$0x4] =	stream.linear.gather [hbm4b:s1+s3], $0x1388, $0x38;
	[tilespmem:$0x6900] =	vst v63  }
0x17d: {  	_ = 	snop  }
0x17e: {  	[spmem:s2] =	stream.indirect.scatter.add.f32 [tilespmem:s17], [sflag:$0x5], $0x1, s3, s13, $0xb8;
	[tilespmem:$0x6900] =	vst v63  }
0x17f: {  	_ =	swait.ge [sflag:s22], $0x1388  }
0x180: {  	[sflag:s22] =	ssyncset.done $0x0  }
0x181: {  	[sflag:s22] =	ssyncadd.s32 $0xFFFFEC78  }
0x182: {  	_ =	swait.ge [sflag:s19], $0x1388  }
0x183: {  	[sflag:s19] =	ssyncset.done $0x0  }
0x184: {  	[sflag:s19] =	ssyncadd.s32 $0xFFFFEC78  }
0x185: {  	_ =	swait.ge [sflag:s18], $0x1388  }
0x186: {  	[sflag:s18] =	ssyncset.done $0x0  }
0x187: {  	s1 =	rddreg [dreg:$0xd];
	[sflag:s18] =	ssyncadd.s32 $0xFFFFEC78  }
0x188: {  	[tilespmem:s3], [sflag:$0x1] =	stream.linear.gather [hbm4b:s1+s3], $0x1388, $0x38;
	[tilespmem:$0x6900] =	vst v63  }
0x189: {  	_ = 	snop  }
0x18a: {  	[tilespmem:s17], [sflag:$0x3] =	stream.linear.gather [hbm4b:s31+s3], $0x1388, $0x38;
	[tilespmem:$0x6900] =	vst v63  }
0x18b: {  	_ = 	snop  }
0x18c: {  	[spmem:s2] =	stream.indirect.scatter.add.f32 [tilespmem:s12], [sflag:$0x6], $0x1, s11, s13, $0xb8;
	[tilespmem:$0x6900] =	vst v63  }
0x18d: {  	_ =	swait.ge [sflag:s8], $0x1388  }
0x18e: {  	[sflag:s8] =	ssyncset.done $0x0  }
0x18f: {  	[sflag:s8] =	ssyncadd.s32 $0xFFFFEC78  }
0x190: {  	_ =	swait.ge [sflag:s23], $0x1388  }
0x191: {  	[sflag:s23] =	ssyncset.done $0x0  }
0x192: {  	[sflag:s23] =	ssyncadd.s32 $0xFFFFEC78  }
0x193: {  	_ =	swait.ge [sflag:s15], $0x1388  }
0x194: {  	[sflag:s15] =	ssyncset.done $0x0  }
0x195: {  	[sflag:s15] =	ssyncadd.s32 $0xFFFFEC78  }
0x196: {  	[tilespmem:s11], [sflag:$0x2] =	stream.linear.gather [hbm4b:s29+s3], $0x1388, $0x38;
	[tilespmem:$0x6900] =	vst v63  }
0x197: {  	_ = 	snop  }
0x198: {  	[tilespmem:s12], [sflag:$0x4] =	stream.linear.gather [hbm4b:s30+s3], $0x1388, $0x38;
	[tilespmem:$0x6900] =	vst v63  }
0x199: {  	_ = 	snop  }
0x19a: {  	[spmem:s2] =	stream.indirect.scatter.add.f32 [tilespmem:s17], [sflag:$0x5], $0x1, s3, s13, $0xb8;
	[tilespmem:$0x6900] =	vst v63  }
0x19b: {  	_ =	swait.ge [sflag:s22], $0x1388  }
0x19c: {  	[sflag:s22] =	ssyncset.done $0x0  }
0x19d: {  	[sflag:s22] =	ssyncadd.s32 $0xFFFFEC78  }
0x19e: {  	_ =	swait.ge [sflag:s19], $0x1388  }
0x19f: {  	[sflag:s19] =	ssyncset.done $0x0  }
0x1a0: {  	[sflag:s19] =	ssyncadd.s32 $0xFFFFEC78  }
0x1a1: {  	_ =	swait.ge [sflag:s18], $0x1388  }
0x1a2: {  	[sflag:s18] =	ssyncset.done $0x0  }
0x1a3: {  	[sflag:s18] =	ssyncadd.s32 $0xFFFFEC78  }
0x1a4: {  	[tilespmem:s3], [sflag:$0x1] =	stream.linear.gather [hbm4b:s26+s3], $0x1388, $0x38;
	[tilespmem:$0x6900] =	vst v63  }
0x1a5: {  	_ = 	snop  }
0x1a6: {  	[tilespmem:s17], [sflag:$0x3] =	stream.linear.gather [hbm4b:s28+s3], $0x1388, $0x38;
	[tilespmem:$0x6900] =	vst v63  }
0x1a7: {  	_ = 	snop  }
0x1a8: {  	[spmem:s2] =	stream.indirect.scatter.add.f32 [tilespmem:s12], [sflag:$0x6], $0x1, s11, s13, $0xb8;
	[tilespmem:$0x6900] =	vst v63  }
0x1a9: {  	_ =	swait.ge [sflag:s8], $0x1388  }
0x1aa: {  	[sflag:s8] =	ssyncset.done $0x0  }
0x1ab: {  	[sflag:s8] =	ssyncadd.s32 $0xFFFFEC78  }
0x1ac: {  	_ =	swait.ge [sflag:s23], $0x1388  }
0x1ad: {  	[sflag:s23] =	ssyncset.done $0x0  }
0x1ae: {  	[sflag:s23] =	ssyncadd.s32 $0xFFFFEC78  }
0x1af: {  	_ =	swait.ge [sflag:s15], $0x1388  }
0x1b0: {  	[sflag:s15] =	ssyncset.done $0x0  }
0x1b1: {  	[sflag:s15] =	ssyncadd.s32 $0xFFFFEC78  }
0x1b2: {  	[tilespmem:s11], [sflag:$0x2] =	stream.linear.gather [hbm4b:s24+s3], $0x1388, $0x38;
	[tilespmem:$0x6900] =	vst v63  }
0x1b3: {  	_ = 	snop  }
0x1b4: {  	[tilespmem:s12], [sflag:$0x4] =	stream.linear.gather [hbm4b:s25+s3], $0x1388, $0x38;
	[tilespmem:$0x6900] =	vst v63  }
0x1b5: {  	_ = 	snop  }
0x1b6: {  	[spmem:s2] =	stream.indirect.scatter.add.f32 [tilespmem:s17], [sflag:$0x5], $0x1, s3, s13, $0xb8;
	[tilespmem:$0x6900] =	vst v63  }
0x1b7: {  	_ =	swait.ge [sflag:s22], $0x1388  }
0x1b8: {  	[sflag:s22] =	ssyncset.done $0x0  }
0x1b9: {  	[sflag:s22] =	ssyncadd.s32 $0xFFFFEC78  }
0x1ba: {  	_ =	swait.ge [sflag:s19], $0x1388  }
0x1bb: {  	[sflag:s19] =	ssyncset.done $0x0  }
0x1bc: {  	[sflag:s19] =	ssyncadd.s32 $0xFFFFEC78  }
0x1bd: {  	_ =	swait.ge [sflag:s18], $0x1388  }
0x1be: {  	[sflag:s18] =	ssyncset.done $0x0  }
0x1bf: {  	[sflag:s18] =	ssyncadd.s32 $0xFFFFEC78  }
0x1c0: {  	[tilespmem:s3], [sflag:$0x1] =	stream.linear.gather [hbm4b:s20+s3], $0x1388, $0x38;
	[tilespmem:$0x6900] =	vst v63  }
0x1c1: {  	_ = 	snop  }
0x1c2: {  	[tilespmem:s17], [sflag:$0x3] =	stream.linear.gather [hbm4b:s21+s3], $0x1388, $0x38;
	[tilespmem:$0x6900] =	vst v63  }
0x1c3: {  	_ = 	snop  }
0x1c4: {  	[spmem:s2] =	stream.indirect.scatter.add.f32 [tilespmem:s12], [sflag:$0x6], $0x1, s11, s13, $0xb8;
	[tilespmem:$0x6900] =	vst v63  }
0x1c5: {  	_ =	swait.ge [sflag:s8], $0x1388  }
0x1c6: {  	[sflag:s8] =	ssyncset.done $0x0  }
0x1c7: {  	[sflag:s8] =	ssyncadd.s32 $0xFFFFEC78  }
0x1c8: {  	_ =	swait.ge [sflag:s23], $0x1388  }
0x1c9: {  	[sflag:s23] =	ssyncset.done $0x0  }
0x1ca: {  	[sflag:s23] =	ssyncadd.s32 $0xFFFFEC78  }
0x1cb: {  	_ =	swait.ge [sflag:s15], $0x1388  }
0x1cc: {  	[sflag:s15] =	ssyncset.done $0x0  }
0x1cd: {  	[sflag:s15] =	ssyncadd.s32 $0xFFFFEC78  }
0x1ce: {  	[tilespmem:s11], [sflag:$0x2] =	stream.linear.gather [hbm4b:s9+s3], $0x1388, $0x38;
	[tilespmem:$0x6900] =	vst v63  }
0x1cf: {  	_ = 	snop  }
0x1d0: {  	[tilespmem:s12], [sflag:$0x4] =	stream.linear.gather [hbm4b:s10+s3], $0x1388, $0x38;
	[tilespmem:$0x6900] =	vst v63  }
0x1d1: {  	_ = 	snop  }
0x1d2: {  	[spmem:s2] =	stream.indirect.scatter.add.f32 [tilespmem:s17], [sflag:$0x5], $0x1, s3, s13, $0xb8;
	[tilespmem:$0x6900] =	vst v63  }
0x1d3: {  	_ =	swait.ge [sflag:s22], $0x1388  }
0x1d4: {  	[sflag:s22] =	ssyncset.done $0x0  }
0x1d5: {  	[sflag:s22] =	ssyncadd.s32 $0xFFFFEC78  }
0x1d6: {  	_ =	swait.ge [sflag:s19], $0x1388  }
0x1d7: {  	[sflag:s19] =	ssyncset.done $0x0  }
0x1d8: {  	[sflag:s19] =	ssyncadd.s32 $0xFFFFEC78  }
0x1d9: {  	[spmem:s2] =	stream.indirect.scatter.add.f32 [tilespmem:s12], [sflag:$0x6], $0x1, s11, s13, $0xb8;
	[tilespmem:$0x6900] =	vst v63  }
0x1da: {  	_ =	swait.ge [sflag:s18], $0x1388  }
0x1db: {  	[sflag:s18] =	ssyncset.done $0x0  }
0x1dc: {  	[sflag:s18] =	ssyncadd.s32 $0xFFFFEC78  }
0x1dd: {  	_ =	swait.ge [sflag:s15], $0x1388  }
0x1de: {  	[sflag:s15] =	ssyncset.done $0x0  }
0x1df: {  	[sflag:s15] =	ssyncadd.s32 $0xFFFFEC78  }
0x1e0: {  	s30 =	simm.s32 $0x10;
	[bflag:$0x0] =	sbarrier.arrive $0xFFFF  }
0x1e1: {  	[hbm:s5@s16], [sflag:s4] =	dma.strided [spmem:s7@s30], $0x320, s8, $0x10   }
0x1e2: {  	_ =	swait.ge [sflag:s6], $0x320  }
0x1e3: {  	[sflag:s6] =	ssyncset.done $0x0  }
0x1e4: {  	[sflag:s6] =	ssyncadd.s32 $0xFFFFFCE0  }
0x1e5: {  	_ =	sfence.sel $0x180000  }
0x1e6: {  	s31 =	stileid.u32;
	[bflag:$0x0] =	sbarrier.arrive $0xFFFF  }
0x1e7: {  	p0 =	sne.s32 s31, $0x0;
	_ =	strace $0x90000047  }
0x1e8: {  	s0 =	sadd.s32 @!p0 $0x100000, s14;
	[bflag:$0x2] =	sbarrier.arrive $0xFFFF  }
0x1e9: {  	[sflag:s0] =	ssyncadd.tile.s32 @!p0 $0x1;
	_ =	shalt  }
.LBB2_1:
.Ltmp3:
0x1ea: {  	(pc) =	sbr.rel .LBB2_6-.Ltmp3, $2  }
0x1eb: {  	_ =	sdelay $0x2  }
0x1ec: {  	s16 =	simm.s32 $0x20  }
.LBB2_3:
.Ltmp4:
0x1ed: {  	(pc) =	sbr.rel .LBB2_6-.Ltmp4, $2  }
0x1ee: {  	_ =	sdelay $0x2  }
0x1ef: {  	s16 =	simm.s32 $0x20;
	s14 =	rddreg [dreg:$0x3]  }
.Lfunc_end2:
_tile_overlayer_lowered:
.L_overlay_start_2:
0x1f0: {  	(tag) =	ssettag $0x2  }
0x1f1: {  	s0 =	rddreg [dreg:$0x0];
	s2 =	stileid.u32  }
0x1f2: {  	s1 =	rddreg [dreg:$0x1];
	p0 =	sne.s32 s2, $0x0  }
0x1f3: {  	s3 =	rddreg [dreg:$0x2];
	[bflag:$0x3] =	sbarrier.arrive $0xFFFF;
	s2 =	simm.s32 @!p0 $0x1C07  }
0x1f4: {  	[timem:s3], [sflag:s2] =	dma.local @!p0 [hbm:s0], s1  }
0x1f5: {  	s0 =	simm.s32 @!p0 $0x7  }
0x1f6: {  	_ =	swait.ge @!p0 [sflag:s0], s1  }
0x1f7: {  	s1 =	ssub.s32 @!p0 $0x0, s1;
	[sflag:s0] =	ssyncset.done @!p0 $0x0  }
0x1f8: {  	[sflag:s0] =	ssyncadd.s32 @!p0 s1  }
0x1f9: {  	[bflag:$0x3] =	sbarrier.arrive $0xFFFF  }
0x1fa: {  	_ =	shalt  }

</sc_bundles>
